<compile_context>
chip_gen: v7x
topology: tpu7x:2x2x1
jax: 0.10.2.dev20260603
libtpu: 0.0.44.dev20260713+nightly
codegen_flags: <defaults>
</compile_context>

<pallas_src>
import functools

import jax
import jax.numpy as jnp
from jax import lax
from jax.experimental import pallas as pl
from jax.experimental.pallas import tpu as pltpu
from jax.experimental.pallas import tpu_sc as plsc

_NC = 2
_NS = 16
_NW = _NC * _NS

_LANE = 128
_NSLOT = 4
_LAG = 2


@functools.partial(jax.jit, static_argnames=("seq", "rows_per_w"))
def _lookup(xa, xb, table, seq, rows_per_w):
    batch = xa.shape[0]
    d = table.shape[1]
    rem = seq - _LANE
    n_groups = rows_per_w
    assert 0 < rem <= _LANE
    assert n_groups > _NSLOT and (n_groups - _NSLOT) % _NSLOT == 0
    mesh = plsc.VectorSubcoreMesh(core_axis_name="c", subcore_axis_name="s")

    @functools.partial(
        pl.kernel,
        mesh=mesh,
        compiler_params=pltpu.CompilerParams(use_tc_tiling_on_sc=False),
        out_type=jax.ShapeDtypeStruct((batch, seq, 2 * d), jnp.float32),
        scratch_types=[
            pltpu.VMEM((rows_per_w, _LANE), jnp.int32),
            pltpu.VMEM((rows_per_w, _LANE), jnp.int32),
            pltpu.VMEM((_NSLOT, seq, d), jnp.float32),
        ]
        + [pltpu.SemaphoreType.DMA] * (2 * _NSLOT),
    )
    def k(xa_hbm, xb_hbm, table_hbm, out_hbm, idx_a, idx_b, rows_v, *sems):
        gs = sems[:_NSLOT]
        ws = sems[_NSLOT:]
        wid = lax.axis_index("s") * _NC + lax.axis_index("c")
        base = wid * rows_per_w
        pltpu.sync_copy(xa_hbm.at[pl.ds(base, rows_per_w)], idx_a)
        pltpu.sync_copy(xb_hbm.at[pl.ds(base, rows_per_w)], idx_b)

        def fire_gather(g, s):
            pltpu.async_copy(
                table_hbm.at[idx_a.at[g]],
                rows_v.at[s, pl.ds(0, _LANE)],
                gs[s],
            )
            pltpu.async_copy(
                table_hbm.at[idx_b.at[g, pl.ds(0, rem)]],
                rows_v.at[s, pl.ds(_LANE, rem)],
                gs[s],
            )

        def wait_gather(s):
            pltpu.make_async_copy(
                table_hbm.at[pl.ds(0, _LANE)],
                rows_v.at[s, pl.ds(0, _LANE)],
                gs[s],
            ).wait()
            pltpu.make_async_copy(
                table_hbm.at[pl.ds(0, rem)],
                rows_v.at[s, pl.ds(0, rem)],
                gs[s],
            ).wait()

        def fire_write(g, s):
            pltpu.async_copy(
                rows_v.at[s], out_hbm.at[base + g, :, pl.ds(0, d)], ws[s]
            )

        def wait_write(s):
            pltpu.make_async_copy(
                rows_v.at[s], out_hbm.at[0, :, pl.ds(0, d)], ws[s]
            ).wait()

        for g in range(_NSLOT):
            fire_gather(g, g)
            if g >= _LAG:
                wait_gather(g - _LAG)
                fire_write(g - _LAG, g - _LAG)

        def body(i, _):
            q = _NSLOT + i * _NSLOT
            for j in range(_NSLOT):
                g = q + j
                wait_write(j)
                fire_gather(g, j)
                s2 = (j + _NSLOT - _LAG) % _NSLOT
                wait_gather(s2)
                fire_write(g - _LAG, s2)
            return _

        lax.fori_loop(0, (n_groups - _NSLOT) // _NSLOT, body, None)

        for g in range(n_groups - _LAG, n_groups):
            s = g % _NSLOT
            wait_gather(s)
            fire_write(g, s)
        for s in range(_NSLOT):
            wait_write(s)

    return k(xa, xb, table)


def kernel(x, embedding_table):
    b, s = x.shape
    v = embedding_table.shape[0]
    assert b % _NW == 0 and _LANE < s <= 2 * _LANE
    xi = x.astype(jnp.int32)
    xa = xi[:, :_LANE]
    xb = jnp.pad(xi[:, _LANE:], ((0, 0), (0, 2 * _LANE - s)))
    return _lookup(xa, xb, embedding_table, s, b // _NW)[:, :, : embedding_table.shape[1]]

# --- scband reference (transcript-rebuilt; emitter-appended) ---
"""Pipeline reference for scband-word-embedding-15977278341758 (READ-ONLY COPY).

The authoritative reference and input builder live on the scoring server;
editing this copy changes nothing except your own understanding.
"""

import jax, jax.numpy as jnp
import numpy as np

VOCAB_SIZE = 1000000
HIDDEN_SIZE = 64
BATCH = 4096
SEQ_LEN = 200

def setup_inputs(seed: int = 0) -> dict:
    key = jax.random.key(seed)
    k_idx, k_emb = jax.random.split(key)
    x = jax.random.randint(k_idx, (BATCH, SEQ_LEN), 0, VOCAB_SIZE, dtype=jnp.int64 if jax.config.jax_enable_x64 else jnp.int32)
    embedding_table = jax.random.normal(k_emb, (VOCAB_SIZE, HIDDEN_SIZE), dtype=jnp.float32)
    return {"x": x, "embedding_table": embedding_table}

def reference(x, embedding_table):
    # nn.Embedding lookup: gather rows of the table by index
    out = jnp.take(embedding_table, x, axis=0)  # [batch, seq_len, hidden]
    return out

if __name__ == "__main__":
    import jax
    _d = setup_inputs()
    print(jax.jit(kernel)(*tuple(_d.values())))

</pallas_src>

<mosaic_0001>
#map = affine_map<(d0, d1) -> (0, 0)>
#map1 = affine_map<(d0, d1) -> (0, 0, 0)>
module attributes {stable_mosaic.version = 14 : i64} {
  func.func @k(%arg0: i32, %arg1: i32, %arg2: memref<4096x128xi32, #tpu.memory_space<hbm>>, %arg3: memref<4096x128xi32, #tpu.memory_space<hbm>>, %arg4: memref<1000000x64xf32, #tpu.memory_space<hbm>>, %arg5: memref<4096x200x128xf32, #tpu.memory_space<hbm>>, %arg6: memref<128x128xi32, #tpu.memory_space<vmem>>, %arg7: memref<128x128xi32, #tpu.memory_space<vmem>>, %arg8: memref<4x200x64xf32, #tpu.memory_space<vmem>>, %arg9: memref<!tpu.dma_semaphore, #tpu.memory_space<semaphore_mem>>, %arg10: memref<!tpu.dma_semaphore, #tpu.memory_space<semaphore_mem>>, %arg11: memref<!tpu.dma_semaphore, #tpu.memory_space<semaphore_mem>>, %arg12: memref<!tpu.dma_semaphore, #tpu.memory_space<semaphore_mem>>, %arg13: memref<!tpu.dma_semaphore, #tpu.memory_space<semaphore_mem>>, %arg14: memref<!tpu.dma_semaphore, #tpu.memory_space<semaphore_mem>>, %arg15: memref<!tpu.dma_semaphore, #tpu.memory_space<semaphore_mem>>, %arg16: memref<!tpu.dma_semaphore, #tpu.memory_space<semaphore_mem>>) attributes {dimension_semantics = [#tpu.dimension_semantics<core_parallel>, #tpu.dimension_semantics<subcore_parallel>], iteration_bounds = array<i64: 2, 16>, scalar_prefetch = 0 : i64, scratch_operands = 11 : i64, tpu.core_type = #tpu.core_type<sc_vector_subcore>, window_params = [{transform_indices = #map}, {transform_indices = #map}, {transform_indices = #map}, {transform_indices = #map1}]} {
    %mul3A = arith.constant 2 : i32
    %mul3A_0 = arith.muli %arg1, %mul3A : i32
    %add3A = arith.addi %mul3A_0, %arg0 : i32
    %mul3A_1 = arith.constant 128 : i32
    %mul3A_2 = arith.muli %add3A, %mul3A_1 : i32
    "tpu.region"() ({
      %run_scoped3A = tpu.sem_alloc : memref<!tpu.dma_semaphore, #tpu.memory_space<semaphore_mem>>
      %dma_start3A_369 = arith.constant 0 : i32
      %dma_start3A_370 = tpu.memref_slice %arg2[%mul3A_2, %dma_start3A_369] : memref<4096x128xi32, #tpu.memory_space<hbm>> -> memref<128x128xi32, #tpu.memory_space<hbm>>
      %dma_start3A_371 = arith.constant 0 : i32
      %dma_start3A_372 = tpu.memref_slice %arg2[%mul3A_2, %dma_start3A_371] : memref<4096x128xi32, #tpu.memory_space<hbm>> -> memref<128x128xi32, #tpu.memory_space<hbm>>
      tpu.enqueue_dma source(%dma_start3A_372 : memref<128x128xi32, #tpu.memory_space<hbm>>) target(%arg6 : memref<128x128xi32, #tpu.memory_space<vmem>>) target_semaphore(%run_scoped3A : memref<!tpu.dma_semaphore, #tpu.memory_space<semaphore_mem>>)
      %dma_wait3A_373 = arith.constant 0 : i32
      %dma_wait3A_374 = tpu.memref_slice %arg2[%mul3A_2, %dma_wait3A_373] : memref<4096x128xi32, #tpu.memory_space<hbm>> -> memref<128x128xi32, #tpu.memory_space<hbm>>
      %dma_wait3A_375 = arith.constant 0 : i32
      %dma_wait3A_376 = tpu.memref_slice %arg2[%mul3A_2, %dma_wait3A_375] : memref<4096x128xi32, #tpu.memory_space<hbm>> -> memref<128x128xi32, #tpu.memory_space<hbm>>
      tpu.wait_dma2 semaphore(%run_scoped3A : memref<!tpu.dma_semaphore, #tpu.memory_space<semaphore_mem>>) src(%dma_wait3A_376 : memref<128x128xi32, #tpu.memory_space<hbm>>) dst(%arg6 : memref<128x128xi32, #tpu.memory_space<vmem>>)
      tpu.yield
    }) : () -> ()
    "tpu.region"() ({
      %run_scoped3A = tpu.sem_alloc : memref<!tpu.dma_semaphore, #tpu.memory_space<semaphore_mem>>
      %dma_start3A_369 = arith.constant 0 : i32
      %dma_start3A_370 = tpu.memref_slice %arg3[%mul3A_2, %dma_start3A_369] : memref<4096x128xi32, #tpu.memory_space<hbm>> -> memref<128x128xi32, #tpu.memory_space<hbm>>
      %dma_start3A_371 = arith.constant 0 : i32
      %dma_start3A_372 = tpu.memref_slice %arg3[%mul3A_2, %dma_start3A_371] : memref<4096x128xi32, #tpu.memory_space<hbm>> -> memref<128x128xi32, #tpu.memory_space<hbm>>
      tpu.enqueue_dma source(%dma_start3A_372 : memref<128x128xi32, #tpu.memory_space<hbm>>) target(%arg7 : memref<128x128xi32, #tpu.memory_space<vmem>>) target_semaphore(%run_scoped3A : memref<!tpu.dma_semaphore, #tpu.memory_space<semaphore_mem>>)
      %dma_wait3A_373 = arith.constant 0 : i32
      %dma_wait3A_374 = tpu.memref_slice %arg3[%mul3A_2, %dma_wait3A_373] : memref<4096x128xi32, #tpu.memory_space<hbm>> -> memref<128x128xi32, #tpu.memory_space<hbm>>
      %dma_wait3A_375 = arith.constant 0 : i32
      %dma_wait3A_376 = tpu.memref_slice %arg3[%mul3A_2, %dma_wait3A_375] : memref<4096x128xi32, #tpu.memory_space<hbm>> -> memref<128x128xi32, #tpu.memory_space<hbm>>
      tpu.wait_dma2 semaphore(%run_scoped3A : memref<!tpu.dma_semaphore, #tpu.memory_space<semaphore_mem>>) src(%dma_wait3A_376 : memref<128x128xi32, #tpu.memory_space<hbm>>) dst(%arg7 : memref<128x128xi32, #tpu.memory_space<vmem>>)
      tpu.yield
    }) : () -> ()
    %dma_start3A = arith.constant 0 : i32
    %dma_start3A_3 = arith.constant 0 : i32
    %dma_start3A_4 = arith.constant 0 : i32
    %dma_start3A_5 = arith.constant 0 : i32
    %dma_start3A_6 = tpu.memref_slice %arg8[%dma_start3A_3, %dma_start3A_4, %dma_start3A_5] : memref<4x200x64xf32, #tpu.memory_space<vmem>> -> memref<1x128x64xf32, #tpu.memory_space<vmem>>
    %dma_start3A_7 = tpu.memref_squeeze %dma_start3A_6 : memref<1x128x64xf32, #tpu.memory_space<vmem>> -> memref<128x64xf32, #tpu.memory_space<vmem>>
    %dma_start3A_8 = arith.constant 0 : i32
    %dma_start3A_9 = tpu.memref_slice %arg6[%dma_start3A, %dma_start3A_8] : memref<128x128xi32, #tpu.memory_space<vmem>> -> memref<1x128xi32, #tpu.memory_space<vmem>>
    %dma_start3A_10 = tpu.memref_squeeze %dma_start3A_9 : memref<1x128xi32, #tpu.memory_space<vmem>> -> memref<128xi32, #tpu.memory_space<vmem>>
    %dma_start3A_11 = arith.constant 0 : i32
    %dma_start3A_12 = arith.constant 0 : i32
    %dma_start3A_13 = tpu.memref_slice %arg4[%dma_start3A_11, %dma_start3A_12] : memref<1000000x64xf32, #tpu.memory_space<hbm>> -> memref<1000000x64xf32, #tpu.memory_space<hbm>>
    tpu.enqueue_indirect_dma source(%dma_start3A_13 : memref<1000000x64xf32, #tpu.memory_space<hbm>>) target(%dma_start3A_7 : memref<128x64xf32, #tpu.memory_space<vmem>>) offsets(%dma_start3A_10 : memref<128xi32, #tpu.memory_space<vmem>>) semaphore(%arg9 : memref<!tpu.dma_semaphore, #tpu.memory_space<semaphore_mem>>)
    %dma_start3A_14 = arith.constant 0 : i32
    %dma_start3A_15 = arith.constant 0 : i32
    %dma_start3A_16 = arith.constant 128 : i32
    %dma_start3A_17 = arith.constant 0 : i32
    %dma_start3A_18 = tpu.memref_slice %arg8[%dma_start3A_15, %dma_start3A_16, %dma_start3A_17] : memref<4x200x64xf32, #tpu.memory_space<vmem>> -> memref<1x72x64xf32, #tpu.memory_space<vmem>>
    %dma_start3A_19 = tpu.memref_squeeze %dma_start3A_18 : memref<1x72x64xf32, #tpu.memory_space<vmem>> -> memref<72x64xf32, #tpu.memory_space<vmem>>
    %dma_start3A_20 = arith.constant 0 : i32
    %dma_start3A_21 = tpu.memref_slice %arg7[%dma_start3A_14, %dma_start3A_20] : memref<128x128xi32, #tpu.memory_space<vmem>> -> memref<1x72xi32, #tpu.memory_space<vmem>>
    %dma_start3A_22 = tpu.memref_squeeze %dma_start3A_21 : memref<1x72xi32, #tpu.memory_space<vmem>> -> memref<72xi32, #tpu.memory_space<vmem>>
    %dma_start3A_23 = arith.constant 0 : i32
    %dma_start3A_24 = arith.constant 0 : i32
    %dma_start3A_25 = tpu.memref_slice %arg4[%dma_start3A_23, %dma_start3A_24] : memref<1000000x64xf32, #tpu.memory_space<hbm>> -> memref<1000000x64xf32, #tpu.memory_space<hbm>>
    tpu.enqueue_indirect_dma source(%dma_start3A_25 : memref<1000000x64xf32, #tpu.memory_space<hbm>>) target(%dma_start3A_19 : memref<72x64xf32, #tpu.memory_space<vmem>>) offsets(%dma_start3A_22 : memref<72xi32, #tpu.memory_space<vmem>>) semaphore(%arg9 : memref<!tpu.dma_semaphore, #tpu.memory_space<semaphore_mem>>)
    %dma_start3A_26 = arith.constant 1 : i32
    %dma_start3A_27 = arith.constant 1 : i32
    %dma_start3A_28 = arith.constant 0 : i32
    %dma_start3A_29 = arith.constant 0 : i32
    %dma_start3A_30 = tpu.memref_slice %arg8[%dma_start3A_27, %dma_start3A_28, %dma_start3A_29] : memref<4x200x64xf32, #tpu.memory_space<vmem>> -> memref<1x128x64xf32, #tpu.memory_space<vmem>>
    %dma_start3A_31 = tpu.memref_squeeze %dma_start3A_30 : memref<1x128x64xf32, #tpu.memory_space<vmem>> -> memref<128x64xf32, #tpu.memory_space<vmem>>
    %dma_start3A_32 = arith.constant 0 : i32
    %dma_start3A_33 = tpu.memref_slice %arg6[%dma_start3A_26, %dma_start3A_32] : memref<128x128xi32, #tpu.memory_space<vmem>> -> memref<1x128xi32, #tpu.memory_space<vmem>>
    %dma_start3A_34 = tpu.memref_squeeze %dma_start3A_33 : memref<1x128xi32, #tpu.memory_space<vmem>> -> memref<128xi32, #tpu.memory_space<vmem>>
    %dma_start3A_35 = arith.constant 0 : i32
    %dma_start3A_36 = arith.constant 0 : i32
    %dma_start3A_37 = tpu.memref_slice %arg4[%dma_start3A_35, %dma_start3A_36] : memref<1000000x64xf32, #tpu.memory_space<hbm>> -> memref<1000000x64xf32, #tpu.memory_space<hbm>>
    tpu.enqueue_indirect_dma source(%dma_start3A_37 : memref<1000000x64xf32, #tpu.memory_space<hbm>>) target(%dma_start3A_31 : memref<128x64xf32, #tpu.memory_space<vmem>>) offsets(%dma_start3A_34 : memref<128xi32, #tpu.memory_space<vmem>>) semaphore(%arg10 : memref<!tpu.dma_semaphore, #tpu.memory_space<semaphore_mem>>)
    %dma_start3A_38 = arith.constant 1 : i32
    %dma_start3A_39 = arith.constant 1 : i32
    %dma_start3A_40 = arith.constant 128 : i32
    %dma_start3A_41 = arith.constant 0 : i32
    %dma_start3A_42 = tpu.memref_slice %arg8[%dma_start3A_39, %dma_start3A_40, %dma_start3A_41] : memref<4x200x64xf32, #tpu.memory_space<vmem>> -> memref<1x72x64xf32, #tpu.memory_space<vmem>>
    %dma_start3A_43 = tpu.memref_squeeze %dma_start3A_42 : memref<1x72x64xf32, #tpu.memory_space<vmem>> -> memref<72x64xf32, #tpu.memory_space<vmem>>
    %dma_start3A_44 = arith.constant 0 : i32
    %dma_start3A_45 = tpu.memref_slice %arg7[%dma_start3A_38, %dma_start3A_44] : memref<128x128xi32, #tpu.memory_space<vmem>> -> memref<1x72xi32, #tpu.memory_space<vmem>>
    %dma_start3A_46 = tpu.memref_squeeze %dma_start3A_45 : memref<1x72xi32, #tpu.memory_space<vmem>> -> memref<72xi32, #tpu.memory_space<vmem>>
    %dma_start3A_47 = arith.constant 0 : i32
    %dma_start3A_48 = arith.constant 0 : i32
    %dma_start3A_49 = tpu.memref_slice %arg4[%dma_start3A_47, %dma_start3A_48] : memref<1000000x64xf32, #tpu.memory_space<hbm>> -> memref<1000000x64xf32, #tpu.memory_space<hbm>>
    tpu.enqueue_indirect_dma source(%dma_start3A_49 : memref<1000000x64xf32, #tpu.memory_space<hbm>>) target(%dma_start3A_43 : memref<72x64xf32, #tpu.memory_space<vmem>>) offsets(%dma_start3A_46 : memref<72xi32, #tpu.memory_space<vmem>>) semaphore(%arg10 : memref<!tpu.dma_semaphore, #tpu.memory_space<semaphore_mem>>)
    %dma_start3A_50 = arith.constant 2 : i32
    %dma_start3A_51 = arith.constant 2 : i32
    %dma_start3A_52 = arith.constant 0 : i32
    %dma_start3A_53 = arith.constant 0 : i32
    %dma_start3A_54 = tpu.memref_slice %arg8[%dma_start3A_51, %dma_start3A_52, %dma_start3A_53] : memref<4x200x64xf32, #tpu.memory_space<vmem>> -> memref<1x128x64xf32, #tpu.memory_space<vmem>>
    %dma_start3A_55 = tpu.memref_squeeze %dma_start3A_54 : memref<1x128x64xf32, #tpu.memory_space<vmem>> -> memref<128x64xf32, #tpu.memory_space<vmem>>
    %dma_start3A_56 = arith.constant 0 : i32
    %dma_start3A_57 = tpu.memref_slice %arg6[%dma_start3A_50, %dma_start3A_56] : memref<128x128xi32, #tpu.memory_space<vmem>> -> memref<1x128xi32, #tpu.memory_space<vmem>>
    %dma_start3A_58 = tpu.memref_squeeze %dma_start3A_57 : memref<1x128xi32, #tpu.memory_space<vmem>> -> memref<128xi32, #tpu.memory_space<vmem>>
    %dma_start3A_59 = arith.constant 0 : i32
    %dma_start3A_60 = arith.constant 0 : i32
    %dma_start3A_61 = tpu.memref_slice %arg4[%dma_start3A_59, %dma_start3A_60] : memref<1000000x64xf32, #tpu.memory_space<hbm>> -> memref<1000000x64xf32, #tpu.memory_space<hbm>>
    tpu.enqueue_indirect_dma source(%dma_start3A_61 : memref<1000000x64xf32, #tpu.memory_space<hbm>>) target(%dma_start3A_55 : memref<128x64xf32, #tpu.memory_space<vmem>>) offsets(%dma_start3A_58 : memref<128xi32, #tpu.memory_space<vmem>>) semaphore(%arg11 : memref<!tpu.dma_semaphore, #tpu.memory_space<semaphore_mem>>)
    %dma_start3A_62 = arith.constant 2 : i32
    %dma_start3A_63 = arith.constant 2 : i32
    %dma_start3A_64 = arith.constant 128 : i32
    %dma_start3A_65 = arith.constant 0 : i32
    %dma_start3A_66 = tpu.memref_slice %arg8[%dma_start3A_63, %dma_start3A_64, %dma_start3A_65] : memref<4x200x64xf32, #tpu.memory_space<vmem>> -> memref<1x72x64xf32, #tpu.memory_space<vmem>>
    %dma_start3A_67 = tpu.memref_squeeze %dma_start3A_66 : memref<1x72x64xf32, #tpu.memory_space<vmem>> -> memref<72x64xf32, #tpu.memory_space<vmem>>
    %dma_start3A_68 = arith.constant 0 : i32
    %dma_start3A_69 = tpu.memref_slice %arg7[%dma_start3A_62, %dma_start3A_68] : memref<128x128xi32, #tpu.memory_space<vmem>> -> memref<1x72xi32, #tpu.memory_space<vmem>>
    %dma_start3A_70 = tpu.memref_squeeze %dma_start3A_69 : memref<1x72xi32, #tpu.memory_space<vmem>> -> memref<72xi32, #tpu.memory_space<vmem>>
    %dma_start3A_71 = arith.constant 0 : i32
    %dma_start3A_72 = arith.constant 0 : i32
    %dma_start3A_73 = tpu.memref_slice %arg4[%dma_start3A_71, %dma_start3A_72] : memref<1000000x64xf32, #tpu.memory_space<hbm>> -> memref<1000000x64xf32, #tpu.memory_space<hbm>>
    tpu.enqueue_indirect_dma source(%dma_start3A_73 : memref<1000000x64xf32, #tpu.memory_space<hbm>>) target(%dma_start3A_67 : memref<72x64xf32, #tpu.memory_space<vmem>>) offsets(%dma_start3A_70 : memref<72xi32, #tpu.memory_space<vmem>>) semaphore(%arg11 : memref<!tpu.dma_semaphore, #tpu.memory_space<semaphore_mem>>)
    %dma_wait3A = arith.constant 0 : i32
    %dma_wait3A_74 = arith.constant 0 : i32
    %dma_wait3A_75 = arith.constant 0 : i32
    %dma_wait3A_76 = tpu.memref_slice %arg8[%dma_wait3A, %dma_wait3A_74, %dma_wait3A_75] : memref<4x200x64xf32, #tpu.memory_space<vmem>> -> memref<1x128x64xf32, #tpu.memory_space<vmem>>
    %dma_wait3A_77 = tpu.memref_squeeze %dma_wait3A_76 : memref<1x128x64xf32, #tpu.memory_space<vmem>> -> memref<128x64xf32, #tpu.memory_space<vmem>>
    %dma_wait3A_78 = arith.constant 0 : i32
    %dma_wait3A_79 = arith.constant 0 : i32
    %dma_wait3A_80 = tpu.memref_slice %arg4[%dma_wait3A_78, %dma_wait3A_79] : memref<1000000x64xf32, #tpu.memory_space<hbm>> -> memref<128x64xf32, #tpu.memory_space<hbm>>
    %dma_wait3A_81 = arith.constant 0 : i32
    %dma_wait3A_82 = arith.constant 0 : i32
    %dma_wait3A_83 = tpu.memref_slice %arg8[%dma_wait3A, %dma_wait3A_81, %dma_wait3A_82] : memref<4x200x64xf32, #tpu.memory_space<vmem>> -> memref<1x128x64xf32, #tpu.memory_space<vmem>>
    %dma_wait3A_84 = tpu.memref_squeeze %dma_wait3A_83 : memref<1x128x64xf32, #tpu.memory_space<vmem>> -> memref<128x64xf32, #tpu.memory_space<vmem>>
    %dma_wait3A_85 = arith.constant 0 : i32
    %dma_wait3A_86 = arith.constant 0 : i32
    %dma_wait3A_87 = tpu.memref_slice %arg4[%dma_wait3A_85, %dma_wait3A_86] : memref<1000000x64xf32, #tpu.memory_space<hbm>> -> memref<128x64xf32, #tpu.memory_space<hbm>>
    tpu.wait_dma2 semaphore(%arg9 : memref<!tpu.dma_semaphore, #tpu.memory_space<semaphore_mem>>) src(%dma_wait3A_87 : memref<128x64xf32, #tpu.memory_space<hbm>>) dst(%dma_wait3A_84 : memref<128x64xf32, #tpu.memory_space<vmem>>)
    %dma_wait3A_88 = arith.constant 0 : i32
    %dma_wait3A_89 = arith.constant 0 : i32
    %dma_wait3A_90 = arith.constant 0 : i32
    %dma_wait3A_91 = tpu.memref_slice %arg8[%dma_wait3A_88, %dma_wait3A_89, %dma_wait3A_90] : memref<4x200x64xf32, #tpu.memory_space<vmem>> -> memref<1x72x64xf32, #tpu.memory_space<vmem>>
    %dma_wait3A_92 = tpu.memref_squeeze %dma_wait3A_91 : memref<1x72x64xf32, #tpu.memory_space<vmem>> -> memref<72x64xf32, #tpu.memory_space<vmem>>
    %dma_wait3A_93 = arith.constant 0 : i32
    %dma_wait3A_94 = arith.constant 0 : i32
    %dma_wait3A_95 = tpu.memref_slice %arg4[%dma_wait3A_93, %dma_wait3A_94] : memref<1000000x64xf32, #tpu.memory_space<hbm>> -> memref<72x64xf32, #tpu.memory_space<hbm>>
    %dma_wait3A_96 = arith.constant 0 : i32
    %dma_wait3A_97 = arith.constant 0 : i32
    %dma_wait3A_98 = tpu.memref_slice %arg8[%dma_wait3A_88, %dma_wait3A_96, %dma_wait3A_97] : memref<4x200x64xf32, #tpu.memory_space<vmem>> -> memref<1x72x64xf32, #tpu.memory_space<vmem>>
    %dma_wait3A_99 = tpu.memref_squeeze %dma_wait3A_98 : memref<1x72x64xf32, #tpu.memory_space<vmem>> -> memref<72x64xf32, #tpu.memory_space<vmem>>
    %dma_wait3A_100 = arith.constant 0 : i32
    %dma_wait3A_101 = arith.constant 0 : i32
    %dma_wait3A_102 = tpu.memref_slice %arg4[%dma_wait3A_100, %dma_wait3A_101] : memref<1000000x64xf32, #tpu.memory_space<hbm>> -> memref<72x64xf32, #tpu.memory_space<hbm>>
    tpu.wait_dma2 semaphore(%arg9 : memref<!tpu.dma_semaphore, #tpu.memory_space<semaphore_mem>>) src(%dma_wait3A_102 : memref<72x64xf32, #tpu.memory_space<hbm>>) dst(%dma_wait3A_99 : memref<72x64xf32, #tpu.memory_space<vmem>>)
    %add3A_103 = arith.constant 0 : i32
    %add3A_104 = arith.addi %mul3A_2, %add3A_103 : i32
    %dma_start3A_105 = arith.constant 0 : i32
    %dma_start3A_106 = arith.constant 0 : i32
    %dma_start3A_107 = arith.constant 0 : i32
    %dma_start3A_108 = tpu.memref_slice %arg8[%dma_start3A_105, %dma_start3A_106, %dma_start3A_107] : memref<4x200x64xf32, #tpu.memory_space<vmem>> -> memref<1x200x64xf32, #tpu.memory_space<vmem>>
    %dma_start3A_109 = tpu.memref_squeeze %dma_start3A_108 : memref<1x200x64xf32, #tpu.memory_space<vmem>> -> memref<200x64xf32, #tpu.memory_space<vmem>>
    %dma_start3A_110 = arith.constant 0 : i32
    %dma_start3A_111 = arith.constant 0 : i32
    %dma_start3A_112 = tpu.memref_slice %arg5[%add3A_104, %dma_start3A_110, %dma_start3A_111] : memref<4096x200x128xf32, #tpu.memory_space<hbm>> -> memref<1x200x64xf32, #tpu.memory_space<hbm>>
    %dma_start3A_113 = tpu.memref_squeeze %dma_start3A_112 : memref<1x200x64xf32, #tpu.memory_space<hbm>> -> memref<200x64xf32, #tpu.memory_space<hbm>>
    %dma_start3A_114 = arith.constant 0 : i32
    %dma_start3A_115 = arith.constant 0 : i32
    %dma_start3A_116 = tpu.memref_slice %arg5[%add3A_104, %dma_start3A_114, %dma_start3A_115] : memref<4096x200x128xf32, #tpu.memory_space<hbm>> -> memref<1x200x64xf32, #tpu.memory_space<hbm>>
    %dma_start3A_117 = tpu.memref_squeeze %dma_start3A_116 : memref<1x200x64xf32, #tpu.memory_space<hbm>> -> memref<200x64xf32, #tpu.memory_space<hbm>>
    %dma_start3A_118 = arith.constant 0 : i32
    %dma_start3A_119 = arith.constant 0 : i32
    %dma_start3A_120 = tpu.memref_slice %arg8[%dma_start3A_105, %dma_start3A_118, %dma_start3A_119] : memref<4x200x64xf32, #tpu.memory_space<vmem>> -> memref<1x200x64xf32, #tpu.memory_space<vmem>>
    %dma_start3A_121 = tpu.memref_squeeze %dma_start3A_120 : memref<1x200x64xf32, #tpu.memory_space<vmem>> -> memref<200x64xf32, #tpu.memory_space<vmem>>
    tpu.enqueue_dma source(%dma_start3A_121 : memref<200x64xf32, #tpu.memory_space<vmem>>) target(%dma_start3A_117 : memref<200x64xf32, #tpu.memory_space<hbm>>) target_semaphore(%arg13 : memref<!tpu.dma_semaphore, #tpu.memory_space<semaphore_mem>>)
    %dma_start3A_122 = arith.constant 3 : i32
    %dma_start3A_123 = arith.constant 3 : i32
    %dma_start3A_124 = arith.constant 0 : i32
    %dma_start3A_125 = arith.constant 0 : i32
    %dma_start3A_126 = tpu.memref_slice %arg8[%dma_start3A_123, %dma_start3A_124, %dma_start3A_125] : memref<4x200x64xf32, #tpu.memory_space<vmem>> -> memref<1x128x64xf32, #tpu.memory_space<vmem>>
    %dma_start3A_127 = tpu.memref_squeeze %dma_start3A_126 : memref<1x128x64xf32, #tpu.memory_space<vmem>> -> memref<128x64xf32, #tpu.memory_space<vmem>>
    %dma_start3A_128 = arith.constant 0 : i32
    %dma_start3A_129 = tpu.memref_slice %arg6[%dma_start3A_122, %dma_start3A_128] : memref<128x128xi32, #tpu.memory_space<vmem>> -> memref<1x128xi32, #tpu.memory_space<vmem>>
    %dma_start3A_130 = tpu.memref_squeeze %dma_start3A_129 : memref<1x128xi32, #tpu.memory_space<vmem>> -> memref<128xi32, #tpu.memory_space<vmem>>
    %dma_start3A_131 = arith.constant 0 : i32
    %dma_start3A_132 = arith.constant 0 : i32
    %dma_start3A_133 = tpu.memref_slice %arg4[%dma_start3A_131, %dma_start3A_132] : memref<1000000x64xf32, #tpu.memory_space<hbm>> -> memref<1000000x64xf32, #tpu.memory_space<hbm>>
    tpu.enqueue_indirect_dma source(%dma_start3A_133 : memref<1000000x64xf32, #tpu.memory_space<hbm>>) target(%dma_start3A_127 : memref<128x64xf32, #tpu.memory_space<vmem>>) offsets(%dma_start3A_130 : memref<128xi32, #tpu.memory_space<vmem>>) semaphore(%arg12 : memref<!tpu.dma_semaphore, #tpu.memory_space<semaphore_mem>>)
    %dma_start3A_134 = arith.constant 3 : i32
    %dma_start3A_135 = arith.constant 3 : i32
    %dma_start3A_136 = arith.constant 128 : i32
    %dma_start3A_137 = arith.constant 0 : i32
    %dma_start3A_138 = tpu.memref_slice %arg8[%dma_start3A_135, %dma_start3A_136, %dma_start3A_137] : memref<4x200x64xf32, #tpu.memory_space<vmem>> -> memref<1x72x64xf32, #tpu.memory_space<vmem>>
    %dma_start3A_139 = tpu.memref_squeeze %dma_start3A_138 : memref<1x72x64xf32, #tpu.memory_space<vmem>> -> memref<72x64xf32, #tpu.memory_space<vmem>>
    %dma_start3A_140 = arith.constant 0 : i32
    %dma_start3A_141 = tpu.memref_slice %arg7[%dma_start3A_134, %dma_start3A_140] : memref<128x128xi32, #tpu.memory_space<vmem>> -> memref<1x72xi32, #tpu.memory_space<vmem>>
    %dma_start3A_142 = tpu.memref_squeeze %dma_start3A_141 : memref<1x72xi32, #tpu.memory_space<vmem>> -> memref<72xi32, #tpu.memory_space<vmem>>
    %dma_start3A_143 = arith.constant 0 : i32
    %dma_start3A_144 = arith.constant 0 : i32
    %dma_start3A_145 = tpu.memref_slice %arg4[%dma_start3A_143, %dma_start3A_144] : memref<1000000x64xf32, #tpu.memory_space<hbm>> -> memref<1000000x64xf32, #tpu.memory_space<hbm>>
    tpu.enqueue_indirect_dma source(%dma_start3A_145 : memref<1000000x64xf32, #tpu.memory_space<hbm>>) target(%dma_start3A_139 : memref<72x64xf32, #tpu.memory_space<vmem>>) offsets(%dma_start3A_142 : memref<72xi32, #tpu.memory_space<vmem>>) semaphore(%arg12 : memref<!tpu.dma_semaphore, #tpu.memory_space<semaphore_mem>>)
    %dma_wait3A_146 = arith.constant 1 : i32
    %dma_wait3A_147 = arith.constant 0 : i32
    %dma_wait3A_148 = arith.constant 0 : i32
    %dma_wait3A_149 = tpu.memref_slice %arg8[%dma_wait3A_146, %dma_wait3A_147, %dma_wait3A_148] : memref<4x200x64xf32, #tpu.memory_space<vmem>> -> memref<1x128x64xf32, #tpu.memory_space<vmem>>
    %dma_wait3A_150 = tpu.memref_squeeze %dma_wait3A_149 : memref<1x128x64xf32, #tpu.memory_space<vmem>> -> memref<128x64xf32, #tpu.memory_space<vmem>>
    %dma_wait3A_151 = arith.constant 0 : i32
    %dma_wait3A_152 = arith.constant 0 : i32
    %dma_wait3A_153 = tpu.memref_slice %arg4[%dma_wait3A_151, %dma_wait3A_152] : memref<1000000x64xf32, #tpu.memory_space<hbm>> -> memref<128x64xf32, #tpu.memory_space<hbm>>
    %dma_wait3A_154 = arith.constant 0 : i32
    %dma_wait3A_155 = arith.constant 0 : i32
    %dma_wait3A_156 = tpu.memref_slice %arg8[%dma_wait3A_146, %dma_wait3A_154, %dma_wait3A_155] : memref<4x200x64xf32, #tpu.memory_space<vmem>> -> memref<1x128x64xf32, #tpu.memory_space<vmem>>
    %dma_wait3A_157 = tpu.memref_squeeze %dma_wait3A_156 : memref<1x128x64xf32, #tpu.memory_space<vmem>> -> memref<128x64xf32, #tpu.memory_space<vmem>>
    %dma_wait3A_158 = arith.constant 0 : i32
    %dma_wait3A_159 = arith.constant 0 : i32
    %dma_wait3A_160 = tpu.memref_slice %arg4[%dma_wait3A_158, %dma_wait3A_159] : memref<1000000x64xf32, #tpu.memory_space<hbm>> -> memref<128x64xf32, #tpu.memory_space<hbm>>
    tpu.wait_dma2 semaphore(%arg10 : memref<!tpu.dma_semaphore, #tpu.memory_space<semaphore_mem>>) src(%dma_wait3A_160 : memref<128x64xf32, #tpu.memory_space<hbm>>) dst(%dma_wait3A_157 : memref<128x64xf32, #tpu.memory_space<vmem>>)
    %dma_wait3A_161 = arith.constant 1 : i32
    %dma_wait3A_162 = arith.constant 0 : i32
    %dma_wait3A_163 = arith.constant 0 : i32
    %dma_wait3A_164 = tpu.memref_slice %arg8[%dma_wait3A_161, %dma_wait3A_162, %dma_wait3A_163] : memref<4x200x64xf32, #tpu.memory_space<vmem>> -> memref<1x72x64xf32, #tpu.memory_space<vmem>>
    %dma_wait3A_165 = tpu.memref_squeeze %dma_wait3A_164 : memref<1x72x64xf32, #tpu.memory_space<vmem>> -> memref<72x64xf32, #tpu.memory_space<vmem>>
    %dma_wait3A_166 = arith.constant 0 : i32
    %dma_wait3A_167 = arith.constant 0 : i32
    %dma_wait3A_168 = tpu.memref_slice %arg4[%dma_wait3A_166, %dma_wait3A_167] : memref<1000000x64xf32, #tpu.memory_space<hbm>> -> memref<72x64xf32, #tpu.memory_space<hbm>>
    %dma_wait3A_169 = arith.constant 0 : i32
    %dma_wait3A_170 = arith.constant 0 : i32
    %dma_wait3A_171 = tpu.memref_slice %arg8[%dma_wait3A_161, %dma_wait3A_169, %dma_wait3A_170] : memref<4x200x64xf32, #tpu.memory_space<vmem>> -> memref<1x72x64xf32, #tpu.memory_space<vmem>>
    %dma_wait3A_172 = tpu.memref_squeeze %dma_wait3A_171 : memref<1x72x64xf32, #tpu.memory_space<vmem>> -> memref<72x64xf32, #tpu.memory_space<vmem>>
    %dma_wait3A_173 = arith.constant 0 : i32
    %dma_wait3A_174 = arith.constant 0 : i32
    %dma_wait3A_175 = tpu.memref_slice %arg4[%dma_wait3A_173, %dma_wait3A_174] : memref<1000000x64xf32, #tpu.memory_space<hbm>> -> memref<72x64xf32, #tpu.memory_space<hbm>>
    tpu.wait_dma2 semaphore(%arg10 : memref<!tpu.dma_semaphore, #tpu.memory_space<semaphore_mem>>) src(%dma_wait3A_175 : memref<72x64xf32, #tpu.memory_space<hbm>>) dst(%dma_wait3A_172 : memref<72x64xf32, #tpu.memory_space<vmem>>)
    %add3A_176 = arith.constant 1 : i32
    %add3A_177 = arith.addi %mul3A_2, %add3A_176 : i32
    %dma_start3A_178 = arith.constant 1 : i32
    %dma_start3A_179 = arith.constant 0 : i32
    %dma_start3A_180 = arith.constant 0 : i32
    %dma_start3A_181 = tpu.memref_slice %arg8[%dma_start3A_178, %dma_start3A_179, %dma_start3A_180] : memref<4x200x64xf32, #tpu.memory_space<vmem>> -> memref<1x200x64xf32, #tpu.memory_space<vmem>>
    %dma_start3A_182 = tpu.memref_squeeze %dma_start3A_181 : memref<1x200x64xf32, #tpu.memory_space<vmem>> -> memref<200x64xf32, #tpu.memory_space<vmem>>
    %dma_start3A_183 = arith.constant 0 : i32
    %dma_start3A_184 = arith.constant 0 : i32
    %dma_start3A_185 = tpu.memref_slice %arg5[%add3A_177, %dma_start3A_183, %dma_start3A_184] : memref<4096x200x128xf32, #tpu.memory_space<hbm>> -> memref<1x200x64xf32, #tpu.memory_space<hbm>>
    %dma_start3A_186 = tpu.memref_squeeze %dma_start3A_185 : memref<1x200x64xf32, #tpu.memory_space<hbm>> -> memref<200x64xf32, #tpu.memory_space<hbm>>
    %dma_start3A_187 = arith.constant 0 : i32
    %dma_start3A_188 = arith.constant 0 : i32
    %dma_start3A_189 = tpu.memref_slice %arg5[%add3A_177, %dma_start3A_187, %dma_start3A_188] : memref<4096x200x128xf32, #tpu.memory_space<hbm>> -> memref<1x200x64xf32, #tpu.memory_space<hbm>>
    %dma_start3A_190 = tpu.memref_squeeze %dma_start3A_189 : memref<1x200x64xf32, #tpu.memory_space<hbm>> -> memref<200x64xf32, #tpu.memory_space<hbm>>
    %dma_start3A_191 = arith.constant 0 : i32
    %dma_start3A_192 = arith.constant 0 : i32
    %dma_start3A_193 = tpu.memref_slice %arg8[%dma_start3A_178, %dma_start3A_191, %dma_start3A_192] : memref<4x200x64xf32, #tpu.memory_space<vmem>> -> memref<1x200x64xf32, #tpu.memory_space<vmem>>
    %dma_start3A_194 = tpu.memref_squeeze %dma_start3A_193 : memref<1x200x64xf32, #tpu.memory_space<vmem>> -> memref<200x64xf32, #tpu.memory_space<vmem>>
    tpu.enqueue_dma source(%dma_start3A_194 : memref<200x64xf32, #tpu.memory_space<vmem>>) target(%dma_start3A_190 : memref<200x64xf32, #tpu.memory_space<hbm>>) target_semaphore(%arg14 : memref<!tpu.dma_semaphore, #tpu.memory_space<semaphore_mem>>)
    %scan3A = arith.constant 0 : i32
    %scan3A_195 = arith.constant 31 : i32
    %scan3A_196 = arith.addi %scan3A, %scan3A_195 : i32
    %scan3A_197 = arith.constant 1 : i32
    scf.for %scan3A_369 = %scan3A to %scan3A_196 step %scan3A_197  : i32 {
      %mul3A_370 = arith.constant 4 : i32
      %mul3A_371 = arith.muli %scan3A_369, %mul3A_370 : i32
      %add3A_372 = arith.constant 4 : i32
      %add3A_373 = arith.addi %add3A_372, %mul3A_371 : i32
      %add3A_374 = arith.constant 0 : i32
      %add3A_375 = arith.addi %add3A_373, %add3A_374 : i32
      %dma_wait3A_376 = arith.constant 0 : i32
      %dma_wait3A_377 = arith.constant 0 : i32
      %dma_wait3A_378 = arith.constant 0 : i32
      %dma_wait3A_379 = arith.constant 0 : i32
      %dma_wait3A_380 = tpu.memref_slice %arg8[%dma_wait3A_376, %dma_wait3A_378, %dma_wait3A_379] : memref<4x200x64xf32, #tpu.memory_space<vmem>> -> memref<1x200x64xf32, #tpu.memory_space<vmem>>
      %dma_wait3A_381 = tpu.memref_squeeze %dma_wait3A_380 : memref<1x200x64xf32, #tpu.memory_space<vmem>> -> memref<200x64xf32, #tpu.memory_space<vmem>>
      %dma_wait3A_382 = arith.constant 0 : i32
      %dma_wait3A_383 = arith.constant 0 : i32
      %dma_wait3A_384 = tpu.memref_slice %arg5[%dma_wait3A_377, %dma_wait3A_382, %dma_wait3A_383] : memref<4096x200x128xf32, #tpu.memory_space<hbm>> -> memref<1x200x64xf32, #tpu.memory_space<hbm>>
      %dma_wait3A_385 = tpu.memref_squeeze %dma_wait3A_384 : memref<1x200x64xf32, #tpu.memory_space<hbm>> -> memref<200x64xf32, #tpu.memory_space<hbm>>
      %dma_wait3A_386 = arith.constant 0 : i32
      %dma_wait3A_387 = arith.constant 0 : i32
      %dma_wait3A_388 = tpu.memref_slice %arg5[%dma_wait3A_377, %dma_wait3A_386, %dma_wait3A_387] : memref<4096x200x128xf32, #tpu.memory_space<hbm>> -> memref<1x200x64xf32, #tpu.memory_space<hbm>>
      %dma_wait3A_389 = tpu.memref_squeeze %dma_wait3A_388 : memref<1x200x64xf32, #tpu.memory_space<hbm>> -> memref<200x64xf32, #tpu.memory_space<hbm>>
      %dma_wait3A_390 = arith.constant 0 : i32
      %dma_wait3A_391 = arith.constant 0 : i32
      %dma_wait3A_392 = tpu.memref_slice %arg8[%dma_wait3A_376, %dma_wait3A_390, %dma_wait3A_391] : memref<4x200x64xf32, #tpu.memory_space<vmem>> -> memref<1x200x64xf32, #tpu.memory_space<vmem>>
      %dma_wait3A_393 = tpu.memref_squeeze %dma_wait3A_392 : memref<1x200x64xf32, #tpu.memory_space<vmem>> -> memref<200x64xf32, #tpu.memory_space<vmem>>
      tpu.wait_dma2 semaphore(%arg13 : memref<!tpu.dma_semaphore, #tpu.memory_space<semaphore_mem>>) src(%dma_wait3A_393 : memref<200x64xf32, #tpu.memory_space<vmem>>) dst(%dma_wait3A_389 : memref<200x64xf32, #tpu.memory_space<hbm>>)
      %dma_start3A_394 = arith.constant 0 : i32
      %dma_start3A_395 = arith.constant 0 : i32
      %dma_start3A_396 = arith.constant 0 : i32
      %dma_start3A_397 = tpu.memref_slice %arg8[%dma_start3A_394, %dma_start3A_395, %dma_start3A_396] : memref<4x200x64xf32, #tpu.memory_space<vmem>> -> memref<1x128x64xf32, #tpu.memory_space<vmem>>
      %dma_start3A_398 = tpu.memref_squeeze %dma_start3A_397 : memref<1x128x64xf32, #tpu.memory_space<vmem>> -> memref<128x64xf32, #tpu.memory_space<vmem>>
      %dma_start3A_399 = arith.constant 0 : i32
      %dma_start3A_400 = tpu.memref_slice %arg6[%add3A_375, %dma_start3A_399] : memref<128x128xi32, #tpu.memory_space<vmem>> -> memref<1x128xi32, #tpu.memory_space<vmem>>
      %dma_start3A_401 = tpu.memref_squeeze %dma_start3A_400 : memref<1x128xi32, #tpu.memory_space<vmem>> -> memref<128xi32, #tpu.memory_space<vmem>>
      %dma_start3A_402 = arith.constant 0 : i32
      %dma_start3A_403 = arith.constant 0 : i32
      %dma_start3A_404 = tpu.memref_slice %arg4[%dma_start3A_402, %dma_start3A_403] : memref<1000000x64xf32, #tpu.memory_space<hbm>> -> memref<1000000x64xf32, #tpu.memory_space<hbm>>
      tpu.enqueue_indirect_dma source(%dma_start3A_404 : memref<1000000x64xf32, #tpu.memory_space<hbm>>) target(%dma_start3A_398 : memref<128x64xf32, #tpu.memory_space<vmem>>) offsets(%dma_start3A_401 : memref<128xi32, #tpu.memory_space<vmem>>) semaphore(%arg9 : memref<!tpu.dma_semaphore, #tpu.memory_space<semaphore_mem>>)
      %dma_start3A_405 = arith.constant 0 : i32
      %dma_start3A_406 = arith.constant 128 : i32
      %dma_start3A_407 = arith.constant 0 : i32
      %dma_start3A_408 = tpu.memref_slice %arg8[%dma_start3A_405, %dma_start3A_406, %dma_start3A_407] : memref<4x200x64xf32, #tpu.memory_space<vmem>> -> memref<1x72x64xf32, #tpu.memory_space<vmem>>
      %dma_start3A_409 = tpu.memref_squeeze %dma_start3A_408 : memref<1x72x64xf32, #tpu.memory_space<vmem>> -> memref<72x64xf32, #tpu.memory_space<vmem>>
      %dma_start3A_410 = arith.constant 0 : i32
      %dma_start3A_411 = tpu.memref_slice %arg7[%add3A_375, %dma_start3A_410] : memref<128x128xi32, #tpu.memory_space<vmem>> -> memref<1x72xi32, #tpu.memory_space<vmem>>
      %dma_start3A_412 = tpu.memref_squeeze %dma_start3A_411 : memref<1x72xi32, #tpu.memory_space<vmem>> -> memref<72xi32, #tpu.memory_space<vmem>>
      %dma_start3A_413 = arith.constant 0 : i32
      %dma_start3A_414 = arith.constant 0 : i32
      %dma_start3A_415 = tpu.memref_slice %arg4[%dma_start3A_413, %dma_start3A_414] : memref<1000000x64xf32, #tpu.memory_space<hbm>> -> memref<1000000x64xf32, #tpu.memory_space<hbm>>
      tpu.enqueue_indirect_dma source(%dma_start3A_415 : memref<1000000x64xf32, #tpu.memory_space<hbm>>) target(%dma_start3A_409 : memref<72x64xf32, #tpu.memory_space<vmem>>) offsets(%dma_start3A_412 : memref<72xi32, #tpu.memory_space<vmem>>) semaphore(%arg9 : memref<!tpu.dma_semaphore, #tpu.memory_space<semaphore_mem>>)
      %dma_wait3A_416 = arith.constant 2 : i32
      %dma_wait3A_417 = arith.constant 0 : i32
      %dma_wait3A_418 = arith.constant 0 : i32
      %dma_wait3A_419 = tpu.memref_slice %arg8[%dma_wait3A_416, %dma_wait3A_417, %dma_wait3A_418] : memref<4x200x64xf32, #tpu.memory_space<vmem>> -> memref<1x128x64xf32, #tpu.memory_space<vmem>>
      %dma_wait3A_420 = tpu.memref_squeeze %dma_wait3A_419 : memref<1x128x64xf32, #tpu.memory_space<vmem>> -> memref<128x64xf32, #tpu.memory_space<vmem>>
      %dma_wait3A_421 = arith.constant 0 : i32
      %dma_wait3A_422 = arith.constant 0 : i32
      %dma_wait3A_423 = tpu.memref_slice %arg4[%dma_wait3A_421, %dma_wait3A_422] : memref<1000000x64xf32, #tpu.memory_space<hbm>> -> memref<128x64xf32, #tpu.memory_space<hbm>>
      %dma_wait3A_424 = arith.constant 0 : i32
      %dma_wait3A_425 = arith.constant 0 : i32
      %dma_wait3A_426 = tpu.memref_slice %arg8[%dma_wait3A_416, %dma_wait3A_424, %dma_wait3A_425] : memref<4x200x64xf32, #tpu.memory_space<vmem>> -> memref<1x128x64xf32, #tpu.memory_space<vmem>>
      %dma_wait3A_427 = tpu.memref_squeeze %dma_wait3A_426 : memref<1x128x64xf32, #tpu.memory_space<vmem>> -> memref<128x64xf32, #tpu.memory_space<vmem>>
      %dma_wait3A_428 = arith.constant 0 : i32
      %dma_wait3A_429 = arith.constant 0 : i32
      %dma_wait3A_430 = tpu.memref_slice %arg4[%dma_wait3A_428, %dma_wait3A_429] : memref<1000000x64xf32, #tpu.memory_space<hbm>> -> memref<128x64xf32, #tpu.memory_space<hbm>>
      tpu.wait_dma2 semaphore(%arg11 : memref<!tpu.dma_semaphore, #tpu.memory_space<semaphore_mem>>) src(%dma_wait3A_430 : memref<128x64xf32, #tpu.memory_space<hbm>>) dst(%dma_wait3A_427 : memref<128x64xf32, #tpu.memory_space<vmem>>)
      %dma_wait3A_431 = arith.constant 2 : i32
      %dma_wait3A_432 = arith.constant 0 : i32
      %dma_wait3A_433 = arith.constant 0 : i32
      %dma_wait3A_434 = tpu.memref_slice %arg8[%dma_wait3A_431, %dma_wait3A_432, %dma_wait3A_433] : memref<4x200x64xf32, #tpu.memory_space<vmem>> -> memref<1x72x64xf32, #tpu.memory_space<vmem>>
      %dma_wait3A_435 = tpu.memref_squeeze %dma_wait3A_434 : memref<1x72x64xf32, #tpu.memory_space<vmem>> -> memref<72x64xf32, #tpu.memory_space<vmem>>
      %dma_wait3A_436 = arith.constant 0 : i32
      %dma_wait3A_437 = arith.constant 0 : i32
      %dma_wait3A_438 = tpu.memref_slice %arg4[%dma_wait3A_436, %dma_wait3A_437] : memref<1000000x64xf32, #tpu.memory_space<hbm>> -> memref<72x64xf32, #tpu.memory_space<hbm>>
      %dma_wait3A_439 = arith.constant 0 : i32
      %dma_wait3A_440 = arith.constant 0 : i32
      %dma_wait3A_441 = tpu.memref_slice %arg8[%dma_wait3A_431, %dma_wait3A_439, %dma_wait3A_440] : memref<4x200x64xf32, #tpu.memory_space<vmem>> -> memref<1x72x64xf32, #tpu.memory_space<vmem>>
      %dma_wait3A_442 = tpu.memref_squeeze %dma_wait3A_441 : memref<1x72x64xf32, #tpu.memory_space<vmem>> -> memref<72x64xf32, #tpu.memory_space<vmem>>
      %dma_wait3A_443 = arith.constant 0 : i32
      %dma_wait3A_444 = arith.constant 0 : i32
      %dma_wait3A_445 = tpu.memref_slice %arg4[%dma_wait3A_443, %dma_wait3A_444] : memref<1000000x64xf32, #tpu.memory_space<hbm>> -> memref<72x64xf32, #tpu.memory_space<hbm>>
      tpu.wait_dma2 semaphore(%arg11 : memref<!tpu.dma_semaphore, #tpu.memory_space<semaphore_mem>>) src(%dma_wait3A_445 : memref<72x64xf32, #tpu.memory_space<hbm>>) dst(%dma_wait3A_442 : memref<72x64xf32, #tpu.memory_space<vmem>>)
      %sub3A = arith.constant 2 : i32
      %sub3A_446 = arith.subi %add3A_375, %sub3A : i32
      %add3A_447 = arith.addi %mul3A_2, %sub3A_446 : i32
      %dma_start3A_448 = arith.constant 2 : i32
      %dma_start3A_449 = arith.constant 0 : i32
      %dma_start3A_450 = arith.constant 0 : i32
      %dma_start3A_451 = tpu.memref_slice %arg8[%dma_start3A_448, %dma_start3A_449, %dma_start3A_450] : memref<4x200x64xf32, #tpu.memory_space<vmem>> -> memref<1x200x64xf32, #tpu.memory_space<vmem>>
      %dma_start3A_452 = tpu.memref_squeeze %dma_start3A_451 : memref<1x200x64xf32, #tpu.memory_space<vmem>> -> memref<200x64xf32, #tpu.memory_space<vmem>>
      %dma_start3A_453 = arith.constant 0 : i32
      %dma_start3A_454 = arith.constant 0 : i32
      %dma_start3A_455 = tpu.memref_slice %arg5[%add3A_447, %dma_start3A_453, %dma_start3A_454] : memref<4096x200x128xf32, #tpu.memory_space<hbm>> -> memref<1x200x64xf32, #tpu.memory_space<hbm>>
      %dma_start3A_456 = tpu.memref_squeeze %dma_start3A_455 : memref<1x200x64xf32, #tpu.memory_space<hbm>> -> memref<200x64xf32, #tpu.memory_space<hbm>>
      %dma_start3A_457 = arith.constant 0 : i32
      %dma_start3A_458 = arith.constant 0 : i32
      %dma_start3A_459 = tpu.memref_slice %arg5[%add3A_447, %dma_start3A_457, %dma_start3A_458] : memref<4096x200x128xf32, #tpu.memory_space<hbm>> -> memref<1x200x64xf32, #tpu.memory_space<hbm>>
      %dma_start3A_460 = tpu.memref_squeeze %dma_start3A_459 : memref<1x200x64xf32, #tpu.memory_space<hbm>> -> memref<200x64xf32, #tpu.memory_space<hbm>>
      %dma_start3A_461 = arith.constant 0 : i32
      %dma_start3A_462 = arith.constant 0 : i32
      %dma_start3A_463 = tpu.memref_slice %arg8[%dma_start3A_448, %dma_start3A_461, %dma_start3A_462] : memref<4x200x64xf32, #tpu.memory_space<vmem>> -> memref<1x200x64xf32, #tpu.memory_space<vmem>>
      %dma_start3A_464 = tpu.memref_squeeze %dma_start3A_463 : memref<1x200x64xf32, #tpu.memory_space<vmem>> -> memref<200x64xf32, #tpu.memory_space<vmem>>
      tpu.enqueue_dma source(%dma_start3A_464 : memref<200x64xf32, #tpu.memory_space<vmem>>) target(%dma_start3A_460 : memref<200x64xf32, #tpu.memory_space<hbm>>) target_semaphore(%arg15 : memref<!tpu.dma_semaphore, #tpu.memory_space<semaphore_mem>>)
      %add3A_465 = arith.constant 1 : i32
      %add3A_466 = arith.addi %add3A_373, %add3A_465 : i32
      %dma_wait3A_467 = arith.constant 1 : i32
      %dma_wait3A_468 = arith.constant 0 : i32
      %dma_wait3A_469 = arith.constant 0 : i32
      %dma_wait3A_470 = arith.constant 0 : i32
      %dma_wait3A_471 = tpu.memref_slice %arg8[%dma_wait3A_467, %dma_wait3A_469, %dma_wait3A_470] : memref<4x200x64xf32, #tpu.memory_space<vmem>> -> memref<1x200x64xf32, #tpu.memory_space<vmem>>
      %dma_wait3A_472 = tpu.memref_squeeze %dma_wait3A_471 : memref<1x200x64xf32, #tpu.memory_space<vmem>> -> memref<200x64xf32, #tpu.memory_space<vmem>>
      %dma_wait3A_473 = arith.constant 0 : i32
      %dma_wait3A_474 = arith.constant 0 : i32
      %dma_wait3A_475 = tpu.memref_slice %arg5[%dma_wait3A_468, %dma_wait3A_473, %dma_wait3A_474] : memref<4096x200x128xf32, #tpu.memory_space<hbm>> -> memref<1x200x64xf32, #tpu.memory_space<hbm>>
      %dma_wait3A_476 = tpu.memref_squeeze %dma_wait3A_475 : memref<1x200x64xf32, #tpu.memory_space<hbm>> -> memref<200x64xf32, #tpu.memory_space<hbm>>
      %dma_wait3A_477 = arith.constant 0 : i32
      %dma_wait3A_478 = arith.constant 0 : i32
      %dma_wait3A_479 = tpu.memref_slice %arg5[%dma_wait3A_468, %dma_wait3A_477, %dma_wait3A_478] : memref<4096x200x128xf32, #tpu.memory_space<hbm>> -> memref<1x200x64xf32, #tpu.memory_space<hbm>>
      %dma_wait3A_480 = tpu.memref_squeeze %dma_wait3A_479 : memref<1x200x64xf32, #tpu.memory_space<hbm>> -> memref<200x64xf32, #tpu.memory_space<hbm>>
      %dma_wait3A_481 = arith.constant 0 : i32
      %dma_wait3A_482 = arith.constant 0 : i32
      %dma_wait3A_483 = tpu.memref_slice %arg8[%dma_wait3A_467, %dma_wait3A_481, %dma_wait3A_482] : memref<4x200x64xf32, #tpu.memory_space<vmem>> -> memref<1x200x64xf32, #tpu.memory_space<vmem>>
      %dma_wait3A_484 = tpu.memref_squeeze %dma_wait3A_483 : memref<1x200x64xf32, #tpu.memory_space<vmem>> -> memref<200x64xf32, #tpu.memory_space<vmem>>
      tpu.wait_dma2 semaphore(%arg14 : memref<!tpu.dma_semaphore, #tpu.memory_space<semaphore_mem>>) src(%dma_wait3A_484 : memref<200x64xf32, #tpu.memory_space<vmem>>) dst(%dma_wait3A_480 : memref<200x64xf32, #tpu.memory_space<hbm>>)
      %dma_start3A_485 = arith.constant 1 : i32
      %dma_start3A_486 = arith.constant 0 : i32
      %dma_start3A_487 = arith.constant 0 : i32
      %dma_start3A_488 = tpu.memref_slice %arg8[%dma_start3A_485, %dma_start3A_486, %dma_start3A_487] : memref<4x200x64xf32, #tpu.memory_space<vmem>> -> memref<1x128x64xf32, #tpu.memory_space<vmem>>
      %dma_start3A_489 = tpu.memref_squeeze %dma_start3A_488 : memref<1x128x64xf32, #tpu.memory_space<vmem>> -> memref<128x64xf32, #tpu.memory_space<vmem>>
      %dma_start3A_490 = arith.constant 0 : i32
      %dma_start3A_491 = tpu.memref_slice %arg6[%add3A_466, %dma_start3A_490] : memref<128x128xi32, #tpu.memory_space<vmem>> -> memref<1x128xi32, #tpu.memory_space<vmem>>
      %dma_start3A_492 = tpu.memref_squeeze %dma_start3A_491 : memref<1x128xi32, #tpu.memory_space<vmem>> -> memref<128xi32, #tpu.memory_space<vmem>>
      %dma_start3A_493 = arith.constant 0 : i32
      %dma_start3A_494 = arith.constant 0 : i32
      %dma_start3A_495 = tpu.memref_slice %arg4[%dma_start3A_493, %dma_start3A_494] : memref<1000000x64xf32, #tpu.memory_space<hbm>> -> memref<1000000x64xf32, #tpu.memory_space<hbm>>
      tpu.enqueue_indirect_dma source(%dma_start3A_495 : memref<1000000x64xf32, #tpu.memory_space<hbm>>) target(%dma_start3A_489 : memref<128x64xf32, #tpu.memory_space<vmem>>) offsets(%dma_start3A_492 : memref<128xi32, #tpu.memory_space<vmem>>) semaphore(%arg10 : memref<!tpu.dma_semaphore, #tpu.memory_space<semaphore_mem>>)
      %dma_start3A_496 = arith.constant 1 : i32
      %dma_start3A_497 = arith.constant 128 : i32
      %dma_start3A_498 = arith.constant 0 : i32
      %dma_start3A_499 = tpu.memref_slice %arg8[%dma_start3A_496, %dma_start3A_497, %dma_start3A_498] : memref<4x200x64xf32, #tpu.memory_space<vmem>> -> memref<1x72x64xf32, #tpu.memory_space<vmem>>
      %dma_start3A_500 = tpu.memref_squeeze %dma_start3A_499 : memref<1x72x64xf32, #tpu.memory_space<vmem>> -> memref<72x64xf32, #tpu.memory_space<vmem>>
      %dma_start3A_501 = arith.constant 0 : i32
      %dma_start3A_502 = tpu.memref_slice %arg7[%add3A_466, %dma_start3A_501] : memref<128x128xi32, #tpu.memory_space<vmem>> -> memref<1x72xi32, #tpu.memory_space<vmem>>
      %dma_start3A_503 = tpu.memref_squeeze %dma_start3A_502 : memref<1x72xi32, #tpu.memory_space<vmem>> -> memref<72xi32, #tpu.memory_space<vmem>>
      %dma_start3A_504 = arith.constant 0 : i32
      %dma_start3A_505 = arith.constant 0 : i32
      %dma_start3A_506 = tpu.memref_slice %arg4[%dma_start3A_504, %dma_start3A_505] : memref<1000000x64xf32, #tpu.memory_space<hbm>> -> memref<1000000x64xf32, #tpu.memory_space<hbm>>
      tpu.enqueue_indirect_dma source(%dma_start3A_506 : memref<1000000x64xf32, #tpu.memory_space<hbm>>) target(%dma_start3A_500 : memref<72x64xf32, #tpu.memory_space<vmem>>) offsets(%dma_start3A_503 : memref<72xi32, #tpu.memory_space<vmem>>) semaphore(%arg10 : memref<!tpu.dma_semaphore, #tpu.memory_space<semaphore_mem>>)
      %dma_wait3A_507 = arith.constant 3 : i32
      %dma_wait3A_508 = arith.constant 0 : i32
      %dma_wait3A_509 = arith.constant 0 : i32
      %dma_wait3A_510 = tpu.memref_slice %arg8[%dma_wait3A_507, %dma_wait3A_508, %dma_wait3A_509] : memref<4x200x64xf32, #tpu.memory_space<vmem>> -> memref<1x128x64xf32, #tpu.memory_space<vmem>>
      %dma_wait3A_511 = tpu.memref_squeeze %dma_wait3A_510 : memref<1x128x64xf32, #tpu.memory_space<vmem>> -> memref<128x64xf32, #tpu.memory_space<vmem>>
      %dma_wait3A_512 = arith.constant 0 : i32
      %dma_wait3A_513 = arith.constant 0 : i32
      %dma_wait3A_514 = tpu.memref_slice %arg4[%dma_wait3A_512, %dma_wait3A_513] : memref<1000000x64xf32, #tpu.memory_space<hbm>> -> memref<128x64xf32, #tpu.memory_space<hbm>>
      %dma_wait3A_515 = arith.constant 0 : i32
      %dma_wait3A_516 = arith.constant 0 : i32
      %dma_wait3A_517 = tpu.memref_slice %arg8[%dma_wait3A_507, %dma_wait3A_515, %dma_wait3A_516] : memref<4x200x64xf32, #tpu.memory_space<vmem>> -> memref<1x128x64xf32, #tpu.memory_space<vmem>>
      %dma_wait3A_518 = tpu.memref_squeeze %dma_wait3A_517 : memref<1x128x64xf32, #tpu.memory_space<vmem>> -> memref<128x64xf32, #tpu.memory_space<vmem>>
      %dma_wait3A_519 = arith.constant 0 : i32
      %dma_wait3A_520 = arith.constant 0 : i32
      %dma_wait3A_521 = tpu.memref_slice %arg4[%dma_wait3A_519, %dma_wait3A_520] : memref<1000000x64xf32, #tpu.memory_space<hbm>> -> memref<128x64xf32, #tpu.memory_space<hbm>>
      tpu.wait_dma2 semaphore(%arg12 : memref<!tpu.dma_semaphore, #tpu.memory_space<semaphore_mem>>) src(%dma_wait3A_521 : memref<128x64xf32, #tpu.memory_space<hbm>>) dst(%dma_wait3A_518 : memref<128x64xf32, #tpu.memory_space<vmem>>)
      %dma_wait3A_522 = arith.constant 3 : i32
      %dma_wait3A_523 = arith.constant 0 : i32
      %dma_wait3A_524 = arith.constant 0 : i32
      %dma_wait3A_525 = tpu.memref_slice %arg8[%dma_wait3A_522, %dma_wait3A_523, %dma_wait3A_524] : memref<4x200x64xf32, #tpu.memory_space<vmem>> -> memref<1x72x64xf32, #tpu.memory_space<vmem>>
      %dma_wait3A_526 = tpu.memref_squeeze %dma_wait3A_525 : memref<1x72x64xf32, #tpu.memory_space<vmem>> -> memref<72x64xf32, #tpu.memory_space<vmem>>
      %dma_wait3A_527 = arith.constant 0 : i32
      %dma_wait3A_528 = arith.constant 0 : i32
      %dma_wait3A_529 = tpu.memref_slice %arg4[%dma_wait3A_527, %dma_wait3A_528] : memref<1000000x64xf32, #tpu.memory_space<hbm>> -> memref<72x64xf32, #tpu.memory_space<hbm>>
      %dma_wait3A_530 = arith.constant 0 : i32
      %dma_wait3A_531 = arith.constant 0 : i32
      %dma_wait3A_532 = tpu.memref_slice %arg8[%dma_wait3A_522, %dma_wait3A_530, %dma_wait3A_531] : memref<4x200x64xf32, #tpu.memory_space<vmem>> -> memref<1x72x64xf32, #tpu.memory_space<vmem>>
      %dma_wait3A_533 = tpu.memref_squeeze %dma_wait3A_532 : memref<1x72x64xf32, #tpu.memory_space<vmem>> -> memref<72x64xf32, #tpu.memory_space<vmem>>
      %dma_wait3A_534 = arith.constant 0 : i32
      %dma_wait3A_535 = arith.constant 0 : i32
      %dma_wait3A_536 = tpu.memref_slice %arg4[%dma_wait3A_534, %dma_wait3A_535] : memref<1000000x64xf32, #tpu.memory_space<hbm>> -> memref<72x64xf32, #tpu.memory_space<hbm>>
      tpu.wait_dma2 semaphore(%arg12 : memref<!tpu.dma_semaphore, #tpu.memory_space<semaphore_mem>>) src(%dma_wait3A_536 : memref<72x64xf32, #tpu.memory_space<hbm>>) dst(%dma_wait3A_533 : memref<72x64xf32, #tpu.memory_space<vmem>>)
      %sub3A_537 = arith.constant 2 : i32
      %sub3A_538 = arith.subi %add3A_466, %sub3A_537 : i32
      %add3A_539 = arith.addi %mul3A_2, %sub3A_538 : i32
      %dma_start3A_540 = arith.constant 3 : i32
      %dma_start3A_541 = arith.constant 0 : i32
      %dma_start3A_542 = arith.constant 0 : i32
      %dma_start3A_543 = tpu.memref_slice %arg8[%dma_start3A_540, %dma_start3A_541, %dma_start3A_542] : memref<4x200x64xf32, #tpu.memory_space<vmem>> -> memref<1x200x64xf32, #tpu.memory_space<vmem>>
      %dma_start3A_544 = tpu.memref_squeeze %dma_start3A_543 : memref<1x200x64xf32, #tpu.memory_space<vmem>> -> memref<200x64xf32, #tpu.memory_space<vmem>>
      %dma_start3A_545 = arith.constant 0 : i32
      %dma_start3A_546 = arith.constant 0 : i32
      %dma_start3A_547 = tpu.memref_slice %arg5[%add3A_539, %dma_start3A_545, %dma_start3A_546] : memref<4096x200x128xf32, #tpu.memory_space<hbm>> -> memref<1x200x64xf32, #tpu.memory_space<hbm>>
      %dma_start3A_548 = tpu.memref_squeeze %dma_start3A_547 : memref<1x200x64xf32, #tpu.memory_space<hbm>> -> memref<200x64xf32, #tpu.memory_space<hbm>>
      %dma_start3A_549 = arith.constant 0 : i32
      %dma_start3A_550 = arith.constant 0 : i32
      %dma_start3A_551 = tpu.memref_slice %arg5[%add3A_539, %dma_start3A_549, %dma_start3A_550] : memref<4096x200x128xf32, #tpu.memory_space<hbm>> -> memref<1x200x64xf32, #tpu.memory_space<hbm>>
      %dma_start3A_552 = tpu.memref_squeeze %dma_start3A_551 : memref<1x200x64xf32, #tpu.memory_space<hbm>> -> memref<200x64xf32, #tpu.memory_space<hbm>>
      %dma_start3A_553 = arith.constant 0 : i32
      %dma_start3A_554 = arith.constant 0 : i32
      %dma_start3A_555 = tpu.memref_slice %arg8[%dma_start3A_540, %dma_start3A_553, %dma_start3A_554] : memref<4x200x64xf32, #tpu.memory_space<vmem>> -> memref<1x200x64xf32, #tpu.memory_space<vmem>>
      %dma_start3A_556 = tpu.memref_squeeze %dma_start3A_555 : memref<1x200x64xf32, #tpu.memory_space<vmem>> -> memref<200x64xf32, #tpu.memory_space<vmem>>
      tpu.enqueue_dma source(%dma_start3A_556 : memref<200x64xf32, #tpu.memory_space<vmem>>) target(%dma_start3A_552 : memref<200x64xf32, #tpu.memory_space<hbm>>) target_semaphore(%arg16 : memref<!tpu.dma_semaphore, #tpu.memory_space<semaphore_mem>>)
      %add3A_557 = arith.constant 2 : i32
      %add3A_558 = arith.addi %add3A_373, %add3A_557 : i32
      %dma_wait3A_559 = arith.constant 2 : i32
      %dma_wait3A_560 = arith.constant 0 : i32
      %dma_wait3A_561 = arith.constant 0 : i32
      %dma_wait3A_562 = arith.constant 0 : i32
      %dma_wait3A_563 = tpu.memref_slice %arg8[%dma_wait3A_559, %dma_wait3A_561, %dma_wait3A_562] : memref<4x200x64xf32, #tpu.memory_space<vmem>> -> memref<1x200x64xf32, #tpu.memory_space<vmem>>
      %dma_wait3A_564 = tpu.memref_squeeze %dma_wait3A_563 : memref<1x200x64xf32, #tpu.memory_space<vmem>> -> memref<200x64xf32, #tpu.memory_space<vmem>>
      %dma_wait3A_565 = arith.constant 0 : i32
      %dma_wait3A_566 = arith.constant 0 : i32
      %dma_wait3A_567 = tpu.memref_slice %arg5[%dma_wait3A_560, %dma_wait3A_565, %dma_wait3A_566] : memref<4096x200x128xf32, #tpu.memory_space<hbm>> -> memref<1x200x64xf32, #tpu.memory_space<hbm>>
      %dma_wait3A_568 = tpu.memref_squeeze %dma_wait3A_567 : memref<1x200x64xf32, #tpu.memory_space<hbm>> -> memref<200x64xf32, #tpu.memory_space<hbm>>
      %dma_wait3A_569 = arith.constant 0 : i32
      %dma_wait3A_570 = arith.constant 0 : i32
      %dma_wait3A_571 = tpu.memref_slice %arg5[%dma_wait3A_560, %dma_wait3A_569, %dma_wait3A_570] : memref<4096x200x128xf32, #tpu.memory_space<hbm>> -> memref<1x200x64xf32, #tpu.memory_space<hbm>>
      %dma_wait3A_572 = tpu.memref_squeeze %dma_wait3A_571 : memref<1x200x64xf32, #tpu.memory_space<hbm>> -> memref<200x64xf32, #tpu.memory_space<hbm>>
      %dma_wait3A_573 = arith.constant 0 : i32
      %dma_wait3A_574 = arith.constant 0 : i32
      %dma_wait3A_575 = tpu.memref_slice %arg8[%dma_wait3A_559, %dma_wait3A_573, %dma_wait3A_574] : memref<4x200x64xf32, #tpu.memory_space<vmem>> -> memref<1x200x64xf32, #tpu.memory_space<vmem>>
      %dma_wait3A_576 = tpu.memref_squeeze %dma_wait3A_575 : memref<1x200x64xf32, #tpu.memory_space<vmem>> -> memref<200x64xf32, #tpu.memory_space<vmem>>
      tpu.wait_dma2 semaphore(%arg15 : memref<!tpu.dma_semaphore, #tpu.memory_space<semaphore_mem>>) src(%dma_wait3A_576 : memref<200x64xf32, #tpu.memory_space<vmem>>) dst(%dma_wait3A_572 : memref<200x64xf32, #tpu.memory_space<hbm>>)
      %dma_start3A_577 = arith.constant 2 : i32
      %dma_start3A_578 = arith.constant 0 : i32
      %dma_start3A_579 = arith.constant 0 : i32
      %dma_start3A_580 = tpu.memref_slice %arg8[%dma_start3A_577, %dma_start3A_578, %dma_start3A_579] : memref<4x200x64xf32, #tpu.memory_space<vmem>> -> memref<1x128x64xf32, #tpu.memory_space<vmem>>
      %dma_start3A_581 = tpu.memref_squeeze %dma_start3A_580 : memref<1x128x64xf32, #tpu.memory_space<vmem>> -> memref<128x64xf32, #tpu.memory_space<vmem>>
      %dma_start3A_582 = arith.constant 0 : i32
      %dma_start3A_583 = tpu.memref_slice %arg6[%add3A_558, %dma_start3A_582] : memref<128x128xi32, #tpu.memory_space<vmem>> -> memref<1x128xi32, #tpu.memory_space<vmem>>
      %dma_start3A_584 = tpu.memref_squeeze %dma_start3A_583 : memref<1x128xi32, #tpu.memory_space<vmem>> -> memref<128xi32, #tpu.memory_space<vmem>>
      %dma_start3A_585 = arith.constant 0 : i32
      %dma_start3A_586 = arith.constant 0 : i32
      %dma_start3A_587 = tpu.memref_slice %arg4[%dma_start3A_585, %dma_start3A_586] : memref<1000000x64xf32, #tpu.memory_space<hbm>> -> memref<1000000x64xf32, #tpu.memory_space<hbm>>
      tpu.enqueue_indirect_dma source(%dma_start3A_587 : memref<1000000x64xf32, #tpu.memory_space<hbm>>) target(%dma_start3A_581 : memref<128x64xf32, #tpu.memory_space<vmem>>) offsets(%dma_start3A_584 : memref<128xi32, #tpu.memory_space<vmem>>) semaphore(%arg11 : memref<!tpu.dma_semaphore, #tpu.memory_space<semaphore_mem>>)
      %dma_start3A_588 = arith.constant 2 : i32
      %dma_start3A_589 = arith.constant 128 : i32
      %dma_start3A_590 = arith.constant 0 : i32
      %dma_start3A_591 = tpu.memref_slice %arg8[%dma_start3A_588, %dma_start3A_589, %dma_start3A_590] : memref<4x200x64xf32, #tpu.memory_space<vmem>> -> memref<1x72x64xf32, #tpu.memory_space<vmem>>
      %dma_start3A_592 = tpu.memref_squeeze %dma_start3A_591 : memref<1x72x64xf32, #tpu.memory_space<vmem>> -> memref<72x64xf32, #tpu.memory_space<vmem>>
      %dma_start3A_593 = arith.constant 0 : i32
      %dma_start3A_594 = tpu.memref_slice %arg7[%add3A_558, %dma_start3A_593] : memref<128x128xi32, #tpu.memory_space<vmem>> -> memref<1x72xi32, #tpu.memory_space<vmem>>
      %dma_start3A_595 = tpu.memref_squeeze %dma_start3A_594 : memref<1x72xi32, #tpu.memory_space<vmem>> -> memref<72xi32, #tpu.memory_space<vmem>>
      %dma_start3A_596 = arith.constant 0 : i32
      %dma_start3A_597 = arith.constant 0 : i32
      %dma_start3A_598 = tpu.memref_slice %arg4[%dma_start3A_596, %dma_start3A_597] : memref<1000000x64xf32, #tpu.memory_space<hbm>> -> memref<1000000x64xf32, #tpu.memory_space<hbm>>
      tpu.enqueue_indirect_dma source(%dma_start3A_598 : memref<1000000x64xf32, #tpu.memory_space<hbm>>) target(%dma_start3A_592 : memref<72x64xf32, #tpu.memory_space<vmem>>) offsets(%dma_start3A_595 : memref<72xi32, #tpu.memory_space<vmem>>) semaphore(%arg11 : memref<!tpu.dma_semaphore, #tpu.memory_space<semaphore_mem>>)
      %dma_wait3A_599 = arith.constant 0 : i32
      %dma_wait3A_600 = arith.constant 0 : i32
      %dma_wait3A_601 = arith.constant 0 : i32
      %dma_wait3A_602 = tpu.memref_slice %arg8[%dma_wait3A_599, %dma_wait3A_600, %dma_wait3A_601] : memref<4x200x64xf32, #tpu.memory_space<vmem>> -> memref<1x128x64xf32, #tpu.memory_space<vmem>>
      %dma_wait3A_603 = tpu.memref_squeeze %dma_wait3A_602 : memref<1x128x64xf32, #tpu.memory_space<vmem>> -> memref<128x64xf32, #tpu.memory_space<vmem>>
      %dma_wait3A_604 = arith.constant 0 : i32
      %dma_wait3A_605 = arith.constant 0 : i32
      %dma_wait3A_606 = tpu.memref_slice %arg4[%dma_wait3A_604, %dma_wait3A_605] : memref<1000000x64xf32, #tpu.memory_space<hbm>> -> memref<128x64xf32, #tpu.memory_space<hbm>>
      %dma_wait3A_607 = arith.constant 0 : i32
      %dma_wait3A_608 = arith.constant 0 : i32
      %dma_wait3A_609 = tpu.memref_slice %arg8[%dma_wait3A_599, %dma_wait3A_607, %dma_wait3A_608] : memref<4x200x64xf32, #tpu.memory_space<vmem>> -> memref<1x128x64xf32, #tpu.memory_space<vmem>>
      %dma_wait3A_610 = tpu.memref_squeeze %dma_wait3A_609 : memref<1x128x64xf32, #tpu.memory_space<vmem>> -> memref<128x64xf32, #tpu.memory_space<vmem>>
      %dma_wait3A_611 = arith.constant 0 : i32
      %dma_wait3A_612 = arith.constant 0 : i32
      %dma_wait3A_613 = tpu.memref_slice %arg4[%dma_wait3A_611, %dma_wait3A_612] : memref<1000000x64xf32, #tpu.memory_space<hbm>> -> memref<128x64xf32, #tpu.memory_space<hbm>>
      tpu.wait_dma2 semaphore(%arg9 : memref<!tpu.dma_semaphore, #tpu.memory_space<semaphore_mem>>) src(%dma_wait3A_613 : memref<128x64xf32, #tpu.memory_space<hbm>>) dst(%dma_wait3A_610 : memref<128x64xf32, #tpu.memory_space<vmem>>)
      %dma_wait3A_614 = arith.constant 0 : i32
      %dma_wait3A_615 = arith.constant 0 : i32
      %dma_wait3A_616 = arith.constant 0 : i32
      %dma_wait3A_617 = tpu.memref_slice %arg8[%dma_wait3A_614, %dma_wait3A_615, %dma_wait3A_616] : memref<4x200x64xf32, #tpu.memory_space<vmem>> -> memref<1x72x64xf32, #tpu.memory_space<vmem>>
      %dma_wait3A_618 = tpu.memref_squeeze %dma_wait3A_617 : memref<1x72x64xf32, #tpu.memory_space<vmem>> -> memref<72x64xf32, #tpu.memory_space<vmem>>
      %dma_wait3A_619 = arith.constant 0 : i32
      %dma_wait3A_620 = arith.constant 0 : i32
      %dma_wait3A_621 = tpu.memref_slice %arg4[%dma_wait3A_619, %dma_wait3A_620] : memref<1000000x64xf32, #tpu.memory_space<hbm>> -> memref<72x64xf32, #tpu.memory_space<hbm>>
      %dma_wait3A_622 = arith.constant 0 : i32
      %dma_wait3A_623 = arith.constant 0 : i32
      %dma_wait3A_624 = tpu.memref_slice %arg8[%dma_wait3A_614, %dma_wait3A_622, %dma_wait3A_623] : memref<4x200x64xf32, #tpu.memory_space<vmem>> -> memref<1x72x64xf32, #tpu.memory_space<vmem>>
      %dma_wait3A_625 = tpu.memref_squeeze %dma_wait3A_624 : memref<1x72x64xf32, #tpu.memory_space<vmem>> -> memref<72x64xf32, #tpu.memory_space<vmem>>
      %dma_wait3A_626 = arith.constant 0 : i32
      %dma_wait3A_627 = arith.constant 0 : i32
      %dma_wait3A_628 = tpu.memref_slice %arg4[%dma_wait3A_626, %dma_wait3A_627] : memref<1000000x64xf32, #tpu.memory_space<hbm>> -> memref<72x64xf32, #tpu.memory_space<hbm>>
      tpu.wait_dma2 semaphore(%arg9 : memref<!tpu.dma_semaphore, #tpu.memory_space<semaphore_mem>>) src(%dma_wait3A_628 : memref<72x64xf32, #tpu.memory_space<hbm>>) dst(%dma_wait3A_625 : memref<72x64xf32, #tpu.memory_space<vmem>>)
      %sub3A_629 = arith.constant 2 : i32
      %sub3A_630 = arith.subi %add3A_558, %sub3A_629 : i32
      %add3A_631 = arith.addi %mul3A_2, %sub3A_630 : i32
      %dma_start3A_632 = arith.constant 0 : i32
      %dma_start3A_633 = arith.constant 0 : i32
      %dma_start3A_634 = arith.constant 0 : i32
      %dma_start3A_635 = tpu.memref_slice %arg8[%dma_start3A_632, %dma_start3A_633, %dma_start3A_634] : memref<4x200x64xf32, #tpu.memory_space<vmem>> -> memref<1x200x64xf32, #tpu.memory_space<vmem>>
      %dma_start3A_636 = tpu.memref_squeeze %dma_start3A_635 : memref<1x200x64xf32, #tpu.memory_space<vmem>> -> memref<200x64xf32, #tpu.memory_space<vmem>>
      %dma_start3A_637 = arith.constant 0 : i32
      %dma_start3A_638 = arith.constant 0 : i32
      %dma_start3A_639 = tpu.memref_slice %arg5[%add3A_631, %dma_start3A_637, %dma_start3A_638] : memref<4096x200x128xf32, #tpu.memory_space<hbm>> -> memref<1x200x64xf32, #tpu.memory_space<hbm>>
      %dma_start3A_640 = tpu.memref_squeeze %dma_start3A_639 : memref<1x200x64xf32, #tpu.memory_space<hbm>> -> memref<200x64xf32, #tpu.memory_space<hbm>>
      %dma_start3A_641 = arith.constant 0 : i32
      %dma_start3A_642 = arith.constant 0 : i32
      %dma_start3A_643 = tpu.memref_slice %arg5[%add3A_631, %dma_start3A_641, %dma_start3A_642] : memref<4096x200x128xf32, #tpu.memory_space<hbm>> -> memref<1x200x64xf32, #tpu.memory_space<hbm>>
      %dma_start3A_644 = tpu.memref_squeeze %dma_start3A_643 : memref<1x200x64xf32, #tpu.memory_space<hbm>> -> memref<200x64xf32, #tpu.memory_space<hbm>>
      %dma_start3A_645 = arith.constant 0 : i32
      %dma_start3A_646 = arith.constant 0 : i32
      %dma_start3A_647 = tpu.memref_slice %arg8[%dma_start3A_632, %dma_start3A_645, %dma_start3A_646] : memref<4x200x64xf32, #tpu.memory_space<vmem>> -> memref<1x200x64xf32, #tpu.memory_space<vmem>>
      %dma_start3A_648 = tpu.memref_squeeze %dma_start3A_647 : memref<1x200x64xf32, #tpu.memory_space<vmem>> -> memref<200x64xf32, #tpu.memory_space<vmem>>
      tpu.enqueue_dma source(%dma_start3A_648 : memref<200x64xf32, #tpu.memory_space<vmem>>) target(%dma_start3A_644 : memref<200x64xf32, #tpu.memory_space<hbm>>) target_semaphore(%arg13 : memref<!tpu.dma_semaphore, #tpu.memory_space<semaphore_mem>>)
      %add3A_649 = arith.constant 3 : i32
      %add3A_650 = arith.addi %add3A_373, %add3A_649 : i32
      %dma_wait3A_651 = arith.constant 3 : i32
      %dma_wait3A_652 = arith.constant 0 : i32
      %dma_wait3A_653 = arith.constant 0 : i32
      %dma_wait3A_654 = arith.constant 0 : i32
      %dma_wait3A_655 = tpu.memref_slice %arg8[%dma_wait3A_651, %dma_wait3A_653, %dma_wait3A_654] : memref<4x200x64xf32, #tpu.memory_space<vmem>> -> memref<1x200x64xf32, #tpu.memory_space<vmem>>
      %dma_wait3A_656 = tpu.memref_squeeze %dma_wait3A_655 : memref<1x200x64xf32, #tpu.memory_space<vmem>> -> memref<200x64xf32, #tpu.memory_space<vmem>>
      %dma_wait3A_657 = arith.constant 0 : i32
      %dma_wait3A_658 = arith.constant 0 : i32
      %dma_wait3A_659 = tpu.memref_slice %arg5[%dma_wait3A_652, %dma_wait3A_657, %dma_wait3A_658] : memref<4096x200x128xf32, #tpu.memory_space<hbm>> -> memref<1x200x64xf32, #tpu.memory_space<hbm>>
      %dma_wait3A_660 = tpu.memref_squeeze %dma_wait3A_659 : memref<1x200x64xf32, #tpu.memory_space<hbm>> -> memref<200x64xf32, #tpu.memory_space<hbm>>
      %dma_wait3A_661 = arith.constant 0 : i32
      %dma_wait3A_662 = arith.constant 0 : i32
      %dma_wait3A_663 = tpu.memref_slice %arg5[%dma_wait3A_652, %dma_wait3A_661, %dma_wait3A_662] : memref<4096x200x128xf32, #tpu.memory_space<hbm>> -> memref<1x200x64xf32, #tpu.memory_space<hbm>>
      %dma_wait3A_664 = tpu.memref_squeeze %dma_wait3A_663 : memref<1x200x64xf32, #tpu.memory_space<hbm>> -> memref<200x64xf32, #tpu.memory_space<hbm>>
      %dma_wait3A_665 = arith.constant 0 : i32
      %dma_wait3A_666 = arith.constant 0 : i32
      %dma_wait3A_667 = tpu.memref_slice %arg8[%dma_wait3A_651, %dma_wait3A_665, %dma_wait3A_666] : memref<4x200x64xf32, #tpu.memory_space<vmem>> -> memref<1x200x64xf32, #tpu.memory_space<vmem>>
      %dma_wait3A_668 = tpu.memref_squeeze %dma_wait3A_667 : memref<1x200x64xf32, #tpu.memory_space<vmem>> -> memref<200x64xf32, #tpu.memory_space<vmem>>
      tpu.wait_dma2 semaphore(%arg16 : memref<!tpu.dma_semaphore, #tpu.memory_space<semaphore_mem>>) src(%dma_wait3A_668 : memref<200x64xf32, #tpu.memory_space<vmem>>) dst(%dma_wait3A_664 : memref<200x64xf32, #tpu.memory_space<hbm>>)
      %dma_start3A_669 = arith.constant 3 : i32
      %dma_start3A_670 = arith.constant 0 : i32
      %dma_start3A_671 = arith.constant 0 : i32
      %dma_start3A_672 = tpu.memref_slice %arg8[%dma_start3A_669, %dma_start3A_670, %dma_start3A_671] : memref<4x200x64xf32, #tpu.memory_space<vmem>> -> memref<1x128x64xf32, #tpu.memory_space<vmem>>
      %dma_start3A_673 = tpu.memref_squeeze %dma_start3A_672 : memref<1x128x64xf32, #tpu.memory_space<vmem>> -> memref<128x64xf32, #tpu.memory_space<vmem>>
      %dma_start3A_674 = arith.constant 0 : i32
      %dma_start3A_675 = tpu.memref_slice %arg6[%add3A_650, %dma_start3A_674] : memref<128x128xi32, #tpu.memory_space<vmem>> -> memref<1x128xi32, #tpu.memory_space<vmem>>
      %dma_start3A_676 = tpu.memref_squeeze %dma_start3A_675 : memref<1x128xi32, #tpu.memory_space<vmem>> -> memref<128xi32, #tpu.memory_space<vmem>>
      %dma_start3A_677 = arith.constant 0 : i32
      %dma_start3A_678 = arith.constant 0 : i32
      %dma_start3A_679 = tpu.memref_slice %arg4[%dma_start3A_677, %dma_start3A_678] : memref<1000000x64xf32, #tpu.memory_space<hbm>> -> memref<1000000x64xf32, #tpu.memory_space<hbm>>
      tpu.enqueue_indirect_dma source(%dma_start3A_679 : memref<1000000x64xf32, #tpu.memory_space<hbm>>) target(%dma_start3A_673 : memref<128x64xf32, #tpu.memory_space<vmem>>) offsets(%dma_start3A_676 : memref<128xi32, #tpu.memory_space<vmem>>) semaphore(%arg12 : memref<!tpu.dma_semaphore, #tpu.memory_space<semaphore_mem>>)
      %dma_start3A_680 = arith.constant 3 : i32
      %dma_start3A_681 = arith.constant 128 : i32
      %dma_start3A_682 = arith.constant 0 : i32
      %dma_start3A_683 = tpu.memref_slice %arg8[%dma_start3A_680, %dma_start3A_681, %dma_start3A_682] : memref<4x200x64xf32, #tpu.memory_space<vmem>> -> memref<1x72x64xf32, #tpu.memory_space<vmem>>
      %dma_start3A_684 = tpu.memref_squeeze %dma_start3A_683 : memref<1x72x64xf32, #tpu.memory_space<vmem>> -> memref<72x64xf32, #tpu.memory_space<vmem>>
      %dma_start3A_685 = arith.constant 0 : i32
      %dma_start3A_686 = tpu.memref_slice %arg7[%add3A_650, %dma_start3A_685] : memref<128x128xi32, #tpu.memory_space<vmem>> -> memref<1x72xi32, #tpu.memory_space<vmem>>
      %dma_start3A_687 = tpu.memref_squeeze %dma_start3A_686 : memref<1x72xi32, #tpu.memory_space<vmem>> -> memref<72xi32, #tpu.memory_space<vmem>>
      %dma_start3A_688 = arith.constant 0 : i32
      %dma_start3A_689 = arith.constant 0 : i32
      %dma_start3A_690 = tpu.memref_slice %arg4[%dma_start3A_688, %dma_start3A_689] : memref<1000000x64xf32, #tpu.memory_space<hbm>> -> memref<1000000x64xf32, #tpu.memory_space<hbm>>
      tpu.enqueue_indirect_dma source(%dma_start3A_690 : memref<1000000x64xf32, #tpu.memory_space<hbm>>) target(%dma_start3A_684 : memref<72x64xf32, #tpu.memory_space<vmem>>) offsets(%dma_start3A_687 : memref<72xi32, #tpu.memory_space<vmem>>) semaphore(%arg12 : memref<!tpu.dma_semaphore, #tpu.memory_space<semaphore_mem>>)
      %dma_wait3A_691 = arith.constant 1 : i32
      %dma_wait3A_692 = arith.constant 0 : i32
      %dma_wait3A_693 = arith.constant 0 : i32
      %dma_wait3A_694 = tpu.memref_slice %arg8[%dma_wait3A_691, %dma_wait3A_692, %dma_wait3A_693] : memref<4x200x64xf32, #tpu.memory_space<vmem>> -> memref<1x128x64xf32, #tpu.memory_space<vmem>>
      %dma_wait3A_695 = tpu.memref_squeeze %dma_wait3A_694 : memref<1x128x64xf32, #tpu.memory_space<vmem>> -> memref<128x64xf32, #tpu.memory_space<vmem>>
      %dma_wait3A_696 = arith.constant 0 : i32
      %dma_wait3A_697 = arith.constant 0 : i32
      %dma_wait3A_698 = tpu.memref_slice %arg4[%dma_wait3A_696, %dma_wait3A_697] : memref<1000000x64xf32, #tpu.memory_space<hbm>> -> memref<128x64xf32, #tpu.memory_space<hbm>>
      %dma_wait3A_699 = arith.constant 0 : i32
      %dma_wait3A_700 = arith.constant 0 : i32
      %dma_wait3A_701 = tpu.memref_slice %arg8[%dma_wait3A_691, %dma_wait3A_699, %dma_wait3A_700] : memref<4x200x64xf32, #tpu.memory_space<vmem>> -> memref<1x128x64xf32, #tpu.memory_space<vmem>>
      %dma_wait3A_702 = tpu.memref_squeeze %dma_wait3A_701 : memref<1x128x64xf32, #tpu.memory_space<vmem>> -> memref<128x64xf32, #tpu.memory_space<vmem>>
      %dma_wait3A_703 = arith.constant 0 : i32
      %dma_wait3A_704 = arith.constant 0 : i32
      %dma_wait3A_705 = tpu.memref_slice %arg4[%dma_wait3A_703, %dma_wait3A_704] : memref<1000000x64xf32, #tpu.memory_space<hbm>> -> memref<128x64xf32, #tpu.memory_space<hbm>>
      tpu.wait_dma2 semaphore(%arg10 : memref<!tpu.dma_semaphore, #tpu.memory_space<semaphore_mem>>) src(%dma_wait3A_705 : memref<128x64xf32, #tpu.memory_space<hbm>>) dst(%dma_wait3A_702 : memref<128x64xf32, #tpu.memory_space<vmem>>)
      %dma_wait3A_706 = arith.constant 1 : i32
      %dma_wait3A_707 = arith.constant 0 : i32
      %dma_wait3A_708 = arith.constant 0 : i32
      %dma_wait3A_709 = tpu.memref_slice %arg8[%dma_wait3A_706, %dma_wait3A_707, %dma_wait3A_708] : memref<4x200x64xf32, #tpu.memory_space<vmem>> -> memref<1x72x64xf32, #tpu.memory_space<vmem>>
      %dma_wait3A_710 = tpu.memref_squeeze %dma_wait3A_709 : memref<1x72x64xf32, #tpu.memory_space<vmem>> -> memref<72x64xf32, #tpu.memory_space<vmem>>
      %dma_wait3A_711 = arith.constant 0 : i32
      %dma_wait3A_712 = arith.constant 0 : i32
      %dma_wait3A_713 = tpu.memref_slice %arg4[%dma_wait3A_711, %dma_wait3A_712] : memref<1000000x64xf32, #tpu.memory_space<hbm>> -> memref<72x64xf32, #tpu.memory_space<hbm>>
      %dma_wait3A_714 = arith.constant 0 : i32
      %dma_wait3A_715 = arith.constant 0 : i32
      %dma_wait3A_716 = tpu.memref_slice %arg8[%dma_wait3A_706, %dma_wait3A_714, %dma_wait3A_715] : memref<4x200x64xf32, #tpu.memory_space<vmem>> -> memref<1x72x64xf32, #tpu.memory_space<vmem>>
      %dma_wait3A_717 = tpu.memref_squeeze %dma_wait3A_716 : memref<1x72x64xf32, #tpu.memory_space<vmem>> -> memref<72x64xf32, #tpu.memory_space<vmem>>
      %dma_wait3A_718 = arith.constant 0 : i32
      %dma_wait3A_719 = arith.constant 0 : i32
      %dma_wait3A_720 = tpu.memref_slice %arg4[%dma_wait3A_718, %dma_wait3A_719] : memref<1000000x64xf32, #tpu.memory_space<hbm>> -> memref<72x64xf32, #tpu.memory_space<hbm>>
      tpu.wait_dma2 semaphore(%arg10 : memref<!tpu.dma_semaphore, #tpu.memory_space<semaphore_mem>>) src(%dma_wait3A_720 : memref<72x64xf32, #tpu.memory_space<hbm>>) dst(%dma_wait3A_717 : memref<72x64xf32, #tpu.memory_space<vmem>>)
      %sub3A_721 = arith.constant 2 : i32
      %sub3A_722 = arith.subi %add3A_650, %sub3A_721 : i32
      %add3A_723 = arith.addi %mul3A_2, %sub3A_722 : i32
      %dma_start3A_724 = arith.constant 1 : i32
      %dma_start3A_725 = arith.constant 0 : i32
      %dma_start3A_726 = arith.constant 0 : i32
      %dma_start3A_727 = tpu.memref_slice %arg8[%dma_start3A_724, %dma_start3A_725, %dma_start3A_726] : memref<4x200x64xf32, #tpu.memory_space<vmem>> -> memref<1x200x64xf32, #tpu.memory_space<vmem>>
      %dma_start3A_728 = tpu.memref_squeeze %dma_start3A_727 : memref<1x200x64xf32, #tpu.memory_space<vmem>> -> memref<200x64xf32, #tpu.memory_space<vmem>>
      %dma_start3A_729 = arith.constant 0 : i32
      %dma_start3A_730 = arith.constant 0 : i32
      %dma_start3A_731 = tpu.memref_slice %arg5[%add3A_723, %dma_start3A_729, %dma_start3A_730] : memref<4096x200x128xf32, #tpu.memory_space<hbm>> -> memref<1x200x64xf32, #tpu.memory_space<hbm>>
      %dma_start3A_732 = tpu.memref_squeeze %dma_start3A_731 : memref<1x200x64xf32, #tpu.memory_space<hbm>> -> memref<200x64xf32, #tpu.memory_space<hbm>>
      %dma_start3A_733 = arith.constant 0 : i32
      %dma_start3A_734 = arith.constant 0 : i32
      %dma_start3A_735 = tpu.memref_slice %arg5[%add3A_723, %dma_start3A_733, %dma_start3A_734] : memref<4096x200x128xf32, #tpu.memory_space<hbm>> -> memref<1x200x64xf32, #tpu.memory_space<hbm>>
      %dma_start3A_736 = tpu.memref_squeeze %dma_start3A_735 : memref<1x200x64xf32, #tpu.memory_space<hbm>> -> memref<200x64xf32, #tpu.memory_space<hbm>>
      %dma_start3A_737 = arith.constant 0 : i32
      %dma_start3A_738 = arith.constant 0 : i32
      %dma_start3A_739 = tpu.memref_slice %arg8[%dma_start3A_724, %dma_start3A_737, %dma_start3A_738] : memref<4x200x64xf32, #tpu.memory_space<vmem>> -> memref<1x200x64xf32, #tpu.memory_space<vmem>>
      %dma_start3A_740 = tpu.memref_squeeze %dma_start3A_739 : memref<1x200x64xf32, #tpu.memory_space<vmem>> -> memref<200x64xf32, #tpu.memory_space<vmem>>
      tpu.enqueue_dma source(%dma_start3A_740 : memref<200x64xf32, #tpu.memory_space<vmem>>) target(%dma_start3A_736 : memref<200x64xf32, #tpu.memory_space<hbm>>) target_semaphore(%arg14 : memref<!tpu.dma_semaphore, #tpu.memory_space<semaphore_mem>>)
    }
    %scan3A_198 = arith.constant 31 : i32
    %dma_wait3A_199 = arith.constant 2 : i32
    %dma_wait3A_200 = arith.constant 0 : i32
    %dma_wait3A_201 = arith.constant 0 : i32
    %dma_wait3A_202 = tpu.memref_slice %arg8[%dma_wait3A_199, %dma_wait3A_200, %dma_wait3A_201] : memref<4x200x64xf32, #tpu.memory_space<vmem>> -> memref<1x128x64xf32, #tpu.memory_space<vmem>>
    %dma_wait3A_203 = tpu.memref_squeeze %dma_wait3A_202 : memref<1x128x64xf32, #tpu.memory_space<vmem>> -> memref<128x64xf32, #tpu.memory_space<vmem>>
    %dma_wait3A_204 = arith.constant 0 : i32
    %dma_wait3A_205 = arith.constant 0 : i32
    %dma_wait3A_206 = tpu.memref_slice %arg4[%dma_wait3A_204, %dma_wait3A_205] : memref<1000000x64xf32, #tpu.memory_space<hbm>> -> memref<128x64xf32, #tpu.memory_space<hbm>>
    %dma_wait3A_207 = arith.constant 0 : i32
    %dma_wait3A_208 = arith.constant 0 : i32
    %dma_wait3A_209 = tpu.memref_slice %arg8[%dma_wait3A_199, %dma_wait3A_207, %dma_wait3A_208] : memref<4x200x64xf32, #tpu.memory_space<vmem>> -> memref<1x128x64xf32, #tpu.memory_space<vmem>>
    %dma_wait3A_210 = tpu.memref_squeeze %dma_wait3A_209 : memref<1x128x64xf32, #tpu.memory_space<vmem>> -> memref<128x64xf32, #tpu.memory_space<vmem>>
    %dma_wait3A_211 = arith.constant 0 : i32
    %dma_wait3A_212 = arith.constant 0 : i32
    %dma_wait3A_213 = tpu.memref_slice %arg4[%dma_wait3A_211, %dma_wait3A_212] : memref<1000000x64xf32, #tpu.memory_space<hbm>> -> memref<128x64xf32, #tpu.memory_space<hbm>>
    tpu.wait_dma2 semaphore(%arg11 : memref<!tpu.dma_semaphore, #tpu.memory_space<semaphore_mem>>) src(%dma_wait3A_213 : memref<128x64xf32, #tpu.memory_space<hbm>>) dst(%dma_wait3A_210 : memref<128x64xf32, #tpu.memory_space<vmem>>)
    %dma_wait3A_214 = arith.constant 2 : i32
    %dma_wait3A_215 = arith.constant 0 : i32
    %dma_wait3A_216 = arith.constant 0 : i32
    %dma_wait3A_217 = tpu.memref_slice %arg8[%dma_wait3A_214, %dma_wait3A_215, %dma_wait3A_216] : memref<4x200x64xf32, #tpu.memory_space<vmem>> -> memref<1x72x64xf32, #tpu.memory_space<vmem>>
    %dma_wait3A_218 = tpu.memref_squeeze %dma_wait3A_217 : memref<1x72x64xf32, #tpu.memory_space<vmem>> -> memref<72x64xf32, #tpu.memory_space<vmem>>
    %dma_wait3A_219 = arith.constant 0 : i32
    %dma_wait3A_220 = arith.constant 0 : i32
    %dma_wait3A_221 = tpu.memref_slice %arg4[%dma_wait3A_219, %dma_wait3A_220] : memref<1000000x64xf32, #tpu.memory_space<hbm>> -> memref<72x64xf32, #tpu.memory_space<hbm>>
    %dma_wait3A_222 = arith.constant 0 : i32
    %dma_wait3A_223 = arith.constant 0 : i32
    %dma_wait3A_224 = tpu.memref_slice %arg8[%dma_wait3A_214, %dma_wait3A_222, %dma_wait3A_223] : memref<4x200x64xf32, #tpu.memory_space<vmem>> -> memref<1x72x64xf32, #tpu.memory_space<vmem>>
    %dma_wait3A_225 = tpu.memref_squeeze %dma_wait3A_224 : memref<1x72x64xf32, #tpu.memory_space<vmem>> -> memref<72x64xf32, #tpu.memory_space<vmem>>
    %dma_wait3A_226 = arith.constant 0 : i32
    %dma_wait3A_227 = arith.constant 0 : i32
    %dma_wait3A_228 = tpu.memref_slice %arg4[%dma_wait3A_226, %dma_wait3A_227] : memref<1000000x64xf32, #tpu.memory_space<hbm>> -> memref<72x64xf32, #tpu.memory_space<hbm>>
    tpu.wait_dma2 semaphore(%arg11 : memref<!tpu.dma_semaphore, #tpu.memory_space<semaphore_mem>>) src(%dma_wait3A_228 : memref<72x64xf32, #tpu.memory_space<hbm>>) dst(%dma_wait3A_225 : memref<72x64xf32, #tpu.memory_space<vmem>>)
    %add3A_229 = arith.constant 126 : i32
    %add3A_230 = arith.addi %mul3A_2, %add3A_229 : i32
    %dma_start3A_231 = arith.constant 2 : i32
    %dma_start3A_232 = arith.constant 0 : i32
    %dma_start3A_233 = arith.constant 0 : i32
    %dma_start3A_234 = tpu.memref_slice %arg8[%dma_start3A_231, %dma_start3A_232, %dma_start3A_233] : memref<4x200x64xf32, #tpu.memory_space<vmem>> -> memref<1x200x64xf32, #tpu.memory_space<vmem>>
    %dma_start3A_235 = tpu.memref_squeeze %dma_start3A_234 : memref<1x200x64xf32, #tpu.memory_space<vmem>> -> memref<200x64xf32, #tpu.memory_space<vmem>>
    %dma_start3A_236 = arith.constant 0 : i32
    %dma_start3A_237 = arith.constant 0 : i32
    %dma_start3A_238 = tpu.memref_slice %arg5[%add3A_230, %dma_start3A_236, %dma_start3A_237] : memref<4096x200x128xf32, #tpu.memory_space<hbm>> -> memref<1x200x64xf32, #tpu.memory_space<hbm>>
    %dma_start3A_239 = tpu.memref_squeeze %dma_start3A_238 : memref<1x200x64xf32, #tpu.memory_space<hbm>> -> memref<200x64xf32, #tpu.memory_space<hbm>>
    %dma_start3A_240 = arith.constant 0 : i32
    %dma_start3A_241 = arith.constant 0 : i32
    %dma_start3A_242 = tpu.memref_slice %arg5[%add3A_230, %dma_start3A_240, %dma_start3A_241] : memref<4096x200x128xf32, #tpu.memory_space<hbm>> -> memref<1x200x64xf32, #tpu.memory_space<hbm>>
    %dma_start3A_243 = tpu.memref_squeeze %dma_start3A_242 : memref<1x200x64xf32, #tpu.memory_space<hbm>> -> memref<200x64xf32, #tpu.memory_space<hbm>>
    %dma_start3A_244 = arith.constant 0 : i32
    %dma_start3A_245 = arith.constant 0 : i32
    %dma_start3A_246 = tpu.memref_slice %arg8[%dma_start3A_231, %dma_start3A_244, %dma_start3A_245] : memref<4x200x64xf32, #tpu.memory_space<vmem>> -> memref<1x200x64xf32, #tpu.memory_space<vmem>>
    %dma_start3A_247 = tpu.memref_squeeze %dma_start3A_246 : memref<1x200x64xf32, #tpu.memory_space<vmem>> -> memref<200x64xf32, #tpu.memory_space<vmem>>
    tpu.enqueue_dma source(%dma_start3A_247 : memref<200x64xf32, #tpu.memory_space<vmem>>) target(%dma_start3A_243 : memref<200x64xf32, #tpu.memory_space<hbm>>) target_semaphore(%arg15 : memref<!tpu.dma_semaphore, #tpu.memory_space<semaphore_mem>>)
    %dma_wait3A_248 = arith.constant 3 : i32
    %dma_wait3A_249 = arith.constant 0 : i32
    %dma_wait3A_250 = arith.constant 0 : i32
    %dma_wait3A_251 = tpu.memref_slice %arg8[%dma_wait3A_248, %dma_wait3A_249, %dma_wait3A_250] : memref<4x200x64xf32, #tpu.memory_space<vmem>> -> memref<1x128x64xf32, #tpu.memory_space<vmem>>
    %dma_wait3A_252 = tpu.memref_squeeze %dma_wait3A_251 : memref<1x128x64xf32, #tpu.memory_space<vmem>> -> memref<128x64xf32, #tpu.memory_space<vmem>>
    %dma_wait3A_253 = arith.constant 0 : i32
    %dma_wait3A_254 = arith.constant 0 : i32
    %dma_wait3A_255 = tpu.memref_slice %arg4[%dma_wait3A_253, %dma_wait3A_254] : memref<1000000x64xf32, #tpu.memory_space<hbm>> -> memref<128x64xf32, #tpu.memory_space<hbm>>
    %dma_wait3A_256 = arith.constant 0 : i32
    %dma_wait3A_257 = arith.constant 0 : i32
    %dma_wait3A_258 = tpu.memref_slice %arg8[%dma_wait3A_248, %dma_wait3A_256, %dma_wait3A_257] : memref<4x200x64xf32, #tpu.memory_space<vmem>> -> memref<1x128x64xf32, #tpu.memory_space<vmem>>
    %dma_wait3A_259 = tpu.memref_squeeze %dma_wait3A_258 : memref<1x128x64xf32, #tpu.memory_space<vmem>> -> memref<128x64xf32, #tpu.memory_space<vmem>>
    %dma_wait3A_260 = arith.constant 0 : i32
    %dma_wait3A_261 = arith.constant 0 : i32
    %dma_wait3A_262 = tpu.memref_slice %arg4[%dma_wait3A_260, %dma_wait3A_261] : memref<1000000x64xf32, #tpu.memory_space<hbm>> -> memref<128x64xf32, #tpu.memory_space<hbm>>
    tpu.wait_dma2 semaphore(%arg12 : memref<!tpu.dma_semaphore, #tpu.memory_space<semaphore_mem>>) src(%dma_wait3A_262 : memref<128x64xf32, #tpu.memory_space<hbm>>) dst(%dma_wait3A_259 : memref<128x64xf32, #tpu.memory_space<vmem>>)
    %dma_wait3A_263 = arith.constant 3 : i32
    %dma_wait3A_264 = arith.constant 0 : i32
    %dma_wait3A_265 = arith.constant 0 : i32
    %dma_wait3A_266 = tpu.memref_slice %arg8[%dma_wait3A_263, %dma_wait3A_264, %dma_wait3A_265] : memref<4x200x64xf32, #tpu.memory_space<vmem>> -> memref<1x72x64xf32, #tpu.memory_space<vmem>>
    %dma_wait3A_267 = tpu.memref_squeeze %dma_wait3A_266 : memref<1x72x64xf32, #tpu.memory_space<vmem>> -> memref<72x64xf32, #tpu.memory_space<vmem>>
    %dma_wait3A_268 = arith.constant 0 : i32
    %dma_wait3A_269 = arith.constant 0 : i32
    %dma_wait3A_270 = tpu.memref_slice %arg4[%dma_wait3A_268, %dma_wait3A_269] : memref<1000000x64xf32, #tpu.memory_space<hbm>> -> memref<72x64xf32, #tpu.memory_space<hbm>>
    %dma_wait3A_271 = arith.constant 0 : i32
    %dma_wait3A_272 = arith.constant 0 : i32
    %dma_wait3A_273 = tpu.memref_slice %arg8[%dma_wait3A_263, %dma_wait3A_271, %dma_wait3A_272] : memref<4x200x64xf32, #tpu.memory_space<vmem>> -> memref<1x72x64xf32, #tpu.memory_space<vmem>>
    %dma_wait3A_274 = tpu.memref_squeeze %dma_wait3A_273 : memref<1x72x64xf32, #tpu.memory_space<vmem>> -> memref<72x64xf32, #tpu.memory_space<vmem>>
    %dma_wait3A_275 = arith.constant 0 : i32
    %dma_wait3A_276 = arith.constant 0 : i32
    %dma_wait3A_277 = tpu.memref_slice %arg4[%dma_wait3A_275, %dma_wait3A_276] : memref<1000000x64xf32, #tpu.memory_space<hbm>> -> memref<72x64xf32, #tpu.memory_space<hbm>>
    tpu.wait_dma2 semaphore(%arg12 : memref<!tpu.dma_semaphore, #tpu.memory_space<semaphore_mem>>) src(%dma_wait3A_277 : memref<72x64xf32, #tpu.memory_space<hbm>>) dst(%dma_wait3A_274 : memref<72x64xf32, #tpu.memory_space<vmem>>)
    %add3A_278 = arith.constant 127 : i32
    %add3A_279 = arith.addi %mul3A_2, %add3A_278 : i32
    %dma_start3A_280 = arith.constant 3 : i32
    %dma_start3A_281 = arith.constant 0 : i32
    %dma_start3A_282 = arith.constant 0 : i32
    %dma_start3A_283 = tpu.memref_slice %arg8[%dma_start3A_280, %dma_start3A_281, %dma_start3A_282] : memref<4x200x64xf32, #tpu.memory_space<vmem>> -> memref<1x200x64xf32, #tpu.memory_space<vmem>>
    %dma_start3A_284 = tpu.memref_squeeze %dma_start3A_283 : memref<1x200x64xf32, #tpu.memory_space<vmem>> -> memref<200x64xf32, #tpu.memory_space<vmem>>
    %dma_start3A_285 = arith.constant 0 : i32
    %dma_start3A_286 = arith.constant 0 : i32
    %dma_start3A_287 = tpu.memref_slice %arg5[%add3A_279, %dma_start3A_285, %dma_start3A_286] : memref<4096x200x128xf32, #tpu.memory_space<hbm>> -> memref<1x200x64xf32, #tpu.memory_space<hbm>>
    %dma_start3A_288 = tpu.memref_squeeze %dma_start3A_287 : memref<1x200x64xf32, #tpu.memory_space<hbm>> -> memref<200x64xf32, #tpu.memory_space<hbm>>
    %dma_start3A_289 = arith.constant 0 : i32
    %dma_start3A_290 = arith.constant 0 : i32
    %dma_start3A_291 = tpu.memref_slice %arg5[%add3A_279, %dma_start3A_289, %dma_start3A_290] : memref<4096x200x128xf32, #tpu.memory_space<hbm>> -> memref<1x200x64xf32, #tpu.memory_space<hbm>>
    %dma_start3A_292 = tpu.memref_squeeze %dma_start3A_291 : memref<1x200x64xf32, #tpu.memory_space<hbm>> -> memref<200x64xf32, #tpu.memory_space<hbm>>
    %dma_start3A_293 = arith.constant 0 : i32
    %dma_start3A_294 = arith.constant 0 : i32
    %dma_start3A_295 = tpu.memref_slice %arg8[%dma_start3A_280, %dma_start3A_293, %dma_start3A_294] : memref<4x200x64xf32, #tpu.memory_space<vmem>> -> memref<1x200x64xf32, #tpu.memory_space<vmem>>
    %dma_start3A_296 = tpu.memref_squeeze %dma_start3A_295 : memref<1x200x64xf32, #tpu.memory_space<vmem>> -> memref<200x64xf32, #tpu.memory_space<vmem>>
    tpu.enqueue_dma source(%dma_start3A_296 : memref<200x64xf32, #tpu.memory_space<vmem>>) target(%dma_start3A_292 : memref<200x64xf32, #tpu.memory_space<hbm>>) target_semaphore(%arg16 : memref<!tpu.dma_semaphore, #tpu.memory_space<semaphore_mem>>)
    %dma_wait3A_297 = arith.constant 0 : i32
    %dma_wait3A_298 = arith.constant 0 : i32
    %dma_wait3A_299 = arith.constant 0 : i32
    %dma_wait3A_300 = arith.constant 0 : i32
    %dma_wait3A_301 = tpu.memref_slice %arg8[%dma_wait3A_297, %dma_wait3A_299, %dma_wait3A_300] : memref<4x200x64xf32, #tpu.memory_space<vmem>> -> memref<1x200x64xf32, #tpu.memory_space<vmem>>
    %dma_wait3A_302 = tpu.memref_squeeze %dma_wait3A_301 : memref<1x200x64xf32, #tpu.memory_space<vmem>> -> memref<200x64xf32, #tpu.memory_space<vmem>>
    %dma_wait3A_303 = arith.constant 0 : i32
    %dma_wait3A_304 = arith.constant 0 : i32
    %dma_wait3A_305 = tpu.memref_slice %arg5[%dma_wait3A_298, %dma_wait3A_303, %dma_wait3A_304] : memref<4096x200x128xf32, #tpu.memory_space<hbm>> -> memref<1x200x64xf32, #tpu.memory_space<hbm>>
    %dma_wait3A_306 = tpu.memref_squeeze %dma_wait3A_305 : memref<1x200x64xf32, #tpu.memory_space<hbm>> -> memref<200x64xf32, #tpu.memory_space<hbm>>
    %dma_wait3A_307 = arith.constant 0 : i32
    %dma_wait3A_308 = arith.constant 0 : i32
    %dma_wait3A_309 = tpu.memref_slice %arg5[%dma_wait3A_298, %dma_wait3A_307, %dma_wait3A_308] : memref<4096x200x128xf32, #tpu.memory_space<hbm>> -> memref<1x200x64xf32, #tpu.memory_space<hbm>>
    %dma_wait3A_310 = tpu.memref_squeeze %dma_wait3A_309 : memref<1x200x64xf32, #tpu.memory_space<hbm>> -> memref<200x64xf32, #tpu.memory_space<hbm>>
    %dma_wait3A_311 = arith.constant 0 : i32
    %dma_wait3A_312 = arith.constant 0 : i32
    %dma_wait3A_313 = tpu.memref_slice %arg8[%dma_wait3A_297, %dma_wait3A_311, %dma_wait3A_312] : memref<4x200x64xf32, #tpu.memory_space<vmem>> -> memref<1x200x64xf32, #tpu.memory_space<vmem>>
    %dma_wait3A_314 = tpu.memref_squeeze %dma_wait3A_313 : memref<1x200x64xf32, #tpu.memory_space<vmem>> -> memref<200x64xf32, #tpu.memory_space<vmem>>
    tpu.wait_dma2 semaphore(%arg13 : memref<!tpu.dma_semaphore, #tpu.memory_space<semaphore_mem>>) src(%dma_wait3A_314 : memref<200x64xf32, #tpu.memory_space<vmem>>) dst(%dma_wait3A_310 : memref<200x64xf32, #tpu.memory_space<hbm>>)
    %dma_wait3A_315 = arith.constant 1 : i32
    %dma_wait3A_316 = arith.constant 0 : i32
    %dma_wait3A_317 = arith.constant 0 : i32
    %dma_wait3A_318 = arith.constant 0 : i32
    %dma_wait3A_319 = tpu.memref_slice %arg8[%dma_wait3A_315, %dma_wait3A_317, %dma_wait3A_318] : memref<4x200x64xf32, #tpu.memory_space<vmem>> -> memref<1x200x64xf32, #tpu.memory_space<vmem>>
    %dma_wait3A_320 = tpu.memref_squeeze %dma_wait3A_319 : memref<1x200x64xf32, #tpu.memory_space<vmem>> -> memref<200x64xf32, #tpu.memory_space<vmem>>
    %dma_wait3A_321 = arith.constant 0 : i32
    %dma_wait3A_322 = arith.constant 0 : i32
    %dma_wait3A_323 = tpu.memref_slice %arg5[%dma_wait3A_316, %dma_wait3A_321, %dma_wait3A_322] : memref<4096x200x128xf32, #tpu.memory_space<hbm>> -> memref<1x200x64xf32, #tpu.memory_space<hbm>>
    %dma_wait3A_324 = tpu.memref_squeeze %dma_wait3A_323 : memref<1x200x64xf32, #tpu.memory_space<hbm>> -> memref<200x64xf32, #tpu.memory_space<hbm>>
    %dma_wait3A_325 = arith.constant 0 : i32
    %dma_wait3A_326 = arith.constant 0 : i32
    %dma_wait3A_327 = tpu.memref_slice %arg5[%dma_wait3A_316, %dma_wait3A_325, %dma_wait3A_326] : memref<4096x200x128xf32, #tpu.memory_space<hbm>> -> memref<1x200x64xf32, #tpu.memory_space<hbm>>
    %dma_wait3A_328 = tpu.memref_squeeze %dma_wait3A_327 : memref<1x200x64xf32, #tpu.memory_space<hbm>> -> memref<200x64xf32, #tpu.memory_space<hbm>>
    %dma_wait3A_329 = arith.constant 0 : i32
    %dma_wait3A_330 = arith.constant 0 : i32
    %dma_wait3A_331 = tpu.memref_slice %arg8[%dma_wait3A_315, %dma_wait3A_329, %dma_wait3A_330] : memref<4x200x64xf32, #tpu.memory_space<vmem>> -> memref<1x200x64xf32, #tpu.memory_space<vmem>>
    %dma_wait3A_332 = tpu.memref_squeeze %dma_wait3A_331 : memref<1x200x64xf32, #tpu.memory_space<vmem>> -> memref<200x64xf32, #tpu.memory_space<vmem>>
    tpu.wait_dma2 semaphore(%arg14 : memref<!tpu.dma_semaphore, #tpu.memory_space<semaphore_mem>>) src(%dma_wait3A_332 : memref<200x64xf32, #tpu.memory_space<vmem>>) dst(%dma_wait3A_328 : memref<200x64xf32, #tpu.memory_space<hbm>>)
    %dma_wait3A_333 = arith.constant 2 : i32
    %dma_wait3A_334 = arith.constant 0 : i32
    %dma_wait3A_335 = arith.constant 0 : i32
    %dma_wait3A_336 = arith.constant 0 : i32
    %dma_wait3A_337 = tpu.memref_slice %arg8[%dma_wait3A_333, %dma_wait3A_335, %dma_wait3A_336] : memref<4x200x64xf32, #tpu.memory_space<vmem>> -> memref<1x200x64xf32, #tpu.memory_space<vmem>>
    %dma_wait3A_338 = tpu.memref_squeeze %dma_wait3A_337 : memref<1x200x64xf32, #tpu.memory_space<vmem>> -> memref<200x64xf32, #tpu.memory_space<vmem>>
    %dma_wait3A_339 = arith.constant 0 : i32
    %dma_wait3A_340 = arith.constant 0 : i32
    %dma_wait3A_341 = tpu.memref_slice %arg5[%dma_wait3A_334, %dma_wait3A_339, %dma_wait3A_340] : memref<4096x200x128xf32, #tpu.memory_space<hbm>> -> memref<1x200x64xf32, #tpu.memory_space<hbm>>
    %dma_wait3A_342 = tpu.memref_squeeze %dma_wait3A_341 : memref<1x200x64xf32, #tpu.memory_space<hbm>> -> memref<200x64xf32, #tpu.memory_space<hbm>>
    %dma_wait3A_343 = arith.constant 0 : i32
    %dma_wait3A_344 = arith.constant 0 : i32
    %dma_wait3A_345 = tpu.memref_slice %arg5[%dma_wait3A_334, %dma_wait3A_343, %dma_wait3A_344] : memref<4096x200x128xf32, #tpu.memory_space<hbm>> -> memref<1x200x64xf32, #tpu.memory_space<hbm>>
    %dma_wait3A_346 = tpu.memref_squeeze %dma_wait3A_345 : memref<1x200x64xf32, #tpu.memory_space<hbm>> -> memref<200x64xf32, #tpu.memory_space<hbm>>
    %dma_wait3A_347 = arith.constant 0 : i32
    %dma_wait3A_348 = arith.constant 0 : i32
    %dma_wait3A_349 = tpu.memref_slice %arg8[%dma_wait3A_333, %dma_wait3A_347, %dma_wait3A_348] : memref<4x200x64xf32, #tpu.memory_space<vmem>> -> memref<1x200x64xf32, #tpu.memory_space<vmem>>
    %dma_wait3A_350 = tpu.memref_squeeze %dma_wait3A_349 : memref<1x200x64xf32, #tpu.memory_space<vmem>> -> memref<200x64xf32, #tpu.memory_space<vmem>>
    tpu.wait_dma2 semaphore(%arg15 : memref<!tpu.dma_semaphore, #tpu.memory_space<semaphore_mem>>) src(%dma_wait3A_350 : memref<200x64xf32, #tpu.memory_space<vmem>>) dst(%dma_wait3A_346 : memref<200x64xf32, #tpu.memory_space<hbm>>)
    %dma_wait3A_351 = arith.constant 3 : i32
    %dma_wait3A_352 = arith.constant 0 : i32
    %dma_wait3A_353 = arith.constant 0 : i32
    %dma_wait3A_354 = arith.constant 0 : i32
    %dma_wait3A_355 = tpu.memref_slice %arg8[%dma_wait3A_351, %dma_wait3A_353, %dma_wait3A_354] : memref<4x200x64xf32, #tpu.memory_space<vmem>> -> memref<1x200x64xf32, #tpu.memory_space<vmem>>
    %dma_wait3A_356 = tpu.memref_squeeze %dma_wait3A_355 : memref<1x200x64xf32, #tpu.memory_space<vmem>> -> memref<200x64xf32, #tpu.memory_space<vmem>>
    %dma_wait3A_357 = arith.constant 0 : i32
    %dma_wait3A_358 = arith.constant 0 : i32
    %dma_wait3A_359 = tpu.memref_slice %arg5[%dma_wait3A_352, %dma_wait3A_357, %dma_wait3A_358] : memref<4096x200x128xf32, #tpu.memory_space<hbm>> -> memref<1x200x64xf32, #tpu.memory_space<hbm>>
    %dma_wait3A_360 = tpu.memref_squeeze %dma_wait3A_359 : memref<1x200x64xf32, #tpu.memory_space<hbm>> -> memref<200x64xf32, #tpu.memory_space<hbm>>
    %dma_wait3A_361 = arith.constant 0 : i32
    %dma_wait3A_362 = arith.constant 0 : i32
    %dma_wait3A_363 = tpu.memref_slice %arg5[%dma_wait3A_352, %dma_wait3A_361, %dma_wait3A_362] : memref<4096x200x128xf32, #tpu.memory_space<hbm>> -> memref<1x200x64xf32, #tpu.memory_space<hbm>>
    %dma_wait3A_364 = tpu.memref_squeeze %dma_wait3A_363 : memref<1x200x64xf32, #tpu.memory_space<hbm>> -> memref<200x64xf32, #tpu.memory_space<hbm>>
    %dma_wait3A_365 = arith.constant 0 : i32
    %dma_wait3A_366 = arith.constant 0 : i32
    %dma_wait3A_367 = tpu.memref_slice %arg8[%dma_wait3A_351, %dma_wait3A_365, %dma_wait3A_366] : memref<4x200x64xf32, #tpu.memory_space<vmem>> -> memref<1x200x64xf32, #tpu.memory_space<vmem>>
    %dma_wait3A_368 = tpu.memref_squeeze %dma_wait3A_367 : memref<1x200x64xf32, #tpu.memory_space<vmem>> -> memref<200x64xf32, #tpu.memory_space<vmem>>
    tpu.wait_dma2 semaphore(%arg16 : memref<!tpu.dma_semaphore, #tpu.memory_space<semaphore_mem>>) src(%dma_wait3A_368 : memref<200x64xf32, #tpu.memory_space<vmem>>) dst(%dma_wait3A_364 : memref<200x64xf32, #tpu.memory_space<hbm>>)
    return
  }
}

</mosaic_0001>

<sc_bundles>
// kernel: _lookup.3.cloned.1.call-start
scs
__scs_entry_jumppad:
0x0: {  	(pc) =	sbr.rel $0x88, $3  }
0x1: {  	(tag) =	ssettag $0x0;
	lr =	simm.s32 $0x1  }
0x2: {  	[smem:$0x3F9E] =	sst lr;
	_ =	strace $0xD0000000  }
0x3: {  	_ = 	snop  }
0x4: {  	_ = 	snop  }
0x5: {  	_ = 	snop  }
0x6: {  	_ = 	snop  }
0x7: {  	_ = 	snop  }
__scs_overlays_trampoline_lowered:
0x8: {  	[smem:$0x3FAD] =	sst s0  }
0x9: {  	[smem:$0x3FAE] =	sst s1  }
0xa: {  	[smem:$0x3FAF] =	sst s2  }
0xb: {  	[smem:$0x3FB0] =	sst s3  }
0xc: {  	[smem:$0x3FB1] =	sst s4  }
0xd: {  	[smem:$0x3FB2] =	sst s5  }
0xe: {  	[smem:$0x3FB3] =	sst s6  }
0xf: {  	[smem:$0x3FB4] =	sst s7  }
0x10: {  	[smem:$0x3FB5] =	sst s8  }
0x11: {  	[smem:$0x3FB6] =	sst s9;
	s0 =	simm.s32 @!p0 $0x0  }
0x12: {  	s1 =	sld [smem:$0x3F9C];
	s0 =	simm.s32 @p0 $0x1  }
0x13: {  	[smem:$0x3FB7] =	sst s0;
	s0 =	simm.s32 @!p1 $0x0  }
0x14: {  	s2 =	sld [smem:$0x3F9B];
	s0 =	simm.s32 @p1 $0x1  }
0x15: {  	[smem:$0x3FB8] =	sst s0;
	s0 =	simm.s32 @!p2 $0x0  }
0x16: {  	s3 =	sld [smem:$0x3FDB];
	s0 =	simm.s32 @p2 $0x1  }
0x17: {  	s4 =	simm.s32 $0x1BF5;
	[smem:$0x3FBA] =	sst s0  }
0x18: {  	s0 =	sld [smem:$0x3F9D];
	_ =	swait.ge [sflag:s4], $0x0  }
0x19: {  	s7 =	sld [smem:$0x3F9E]  }
0x1a: {  	s8 =	sadd.s32 $0xFFFFE003, lr  }
0x1b: {  	s9 =	sadd.s32 $0xFFFFFEF7, lr;
	s5 =	simm.s32 $0xFFFFFFFF;
	p2 =	slt.u32 s8, $0xFFFFF086  }
0x1c: {  	p1 =	slt.u32 s9, $0xF7A;
	s5 =	simm.s32 @!p2 $0x0  }
0x1d: {  	s5 =	simm.s32 @p1 $0x1;
	p0 =	seq.s32 s7, s2  }
0x1e: {  	s7 =	smul.u32 @!p0 $0xF7A, s2;
	p2 =	seq.s32 @!p0 s5, $0x0  }
0x1f: {  	s9 =	smul.u32 $0xF7A, s1;
	s8 =	simm.s32 @!p0 $0x1BF5;
	p2 =	por !p2, p0  }
0x20: {  	[sflag:s8] =	ssyncset.s32 @!p0 $0xFFFFF086;
	s6 =	sadd.s32 @!p0 s3, s7;
	s7 =	simm.s32 @!p0 $0x108  }
0x21: {  	s3 =	sadd.s32 s3, s9;
	s6 =	sadd.s32 @!p0 $0x88, s6;
	s7 =	simm.s32 @p2 $0x1082  }
0x22: {  	[simem:s7], [sflag:s8] =	dma.local @!p0 [hbm:s6], $0xF7A  }
0x23: {  	s9 =	sor.u32 $0xD0000000, s2;
	s6 =	simm.s32 $0x108;
	_ =	swait.ge @!p0 [sflag:s8], $0x0  }
0x24: {  	s3 =	sadd.s32 $0x88, s3;
	s6 =	simm.s32 @!p1 $0x1082;
	[sflag:s4] =	ssyncset.s32 $0xFFFFF086  }
0x25: {  	[simem:s6], [sflag:s4] =	dma.local [hbm:s3], $0xF7A  }
0x26: {  	[smem:$0x3F9E] =	sst s1;
	(tag) =	ssettag s2;
	_ =	strace s9  }
0x27: {  	s1 =	sld [smem:$0x3FAE]  }
0x28: {  	s2 =	sld [smem:$0x3FAF]  }
0x29: {  	s4 =	sld [smem:$0x3FB1]  }
0x2a: {  	p0 =	seq.s32 s5, $0x0;
	s5 =	sld [smem:$0x3FB2]  }
0x2b: {  	s6 =	sld [smem:$0x3FB3]  }
0x2c: {  	s7 =	sld [smem:$0x3FB4]  }
0x2d: {  	s3 =	simm.s32 $0x108;
	s8 =	sld [smem:$0x3FB5]  }
0x2e: {  	s3 =	simm.s32 @!p0 $0x1082;
	s9 =	sld [smem:$0x3FB6]  }
0x2f: {  	lr =	sadd.s32 s0, s3;
	s0 =	sld [smem:$0x3FAD]  }
0x30: {  	s3 =	sld [smem:$0x3FB0]  }
0x31: {  	[smem:$0x3FB9] =	sst s10  }
0x32: {  	s10 =	sld [smem:$0x3FB7];
	_ =	sdelay $0x3  }
0x33: {  	p0 =	seq.s32 s10, $0x1;
	s10 =	sld [smem:$0x3FB9];
	_ =	sdelay $0x3  }
0x34: {  	[smem:$0x3FB9] =	sst s10  }
0x35: {  	s10 =	sld [smem:$0x3FB8];
	_ =	sdelay $0x3  }
0x36: {  	p1 =	seq.s32 s10, $0x1;
	s10 =	sld [smem:$0x3FB9];
	_ =	sdelay $0x3  }
0x37: {  	[smem:$0x3FB9] =	sst s10  }
0x38: {  	s10 =	sld [smem:$0x3FBA]  }
0x39: {  	_ = 	snop;
	(pc) =	sbr.ind lr, $3  }
0x3a: {  	_ = 	snop  }
0x3b: {  	_ = 	snop  }
0x3c: {  	p2 =	seq.s32 s10, $0x1;
	s10 =	sld [smem:$0x3FB9]  }
0x3d: {  	_ =	shalt  }
0x3e: {  	_ =	shalt  }
0x3f: {  	_ =	shalt  }
0x40: {  	_ =	shalt  }
0x41: {  	_ =	shalt  }
0x42: {  	_ =	shalt  }
0x43: {  	_ =	shalt  }
0x44: {  	_ =	shalt  }
0x45: {  	_ =	shalt  }
0x46: {  	_ =	shalt  }
0x47: {  	_ =	shalt  }
0x48: {  	_ =	shalt  }
0x49: {  	_ =	shalt  }
0x4a: {  	_ =	shalt  }
0x4b: {  	_ =	shalt  }
0x4c: {  	_ =	shalt  }
0x4d: {  	_ =	shalt  }
0x4e: {  	_ =	shalt  }
0x4f: {  	_ =	shalt  }
0x50: {  	_ =	shalt  }
0x51: {  	_ =	shalt  }
0x52: {  	_ =	shalt  }
0x53: {  	_ =	shalt  }
0x54: {  	_ =	shalt  }
0x55: {  	_ =	shalt  }
0x56: {  	_ =	shalt  }
0x57: {  	_ =	shalt  }
0x58: {  	_ =	shalt  }
0x59: {  	_ =	shalt  }
0x5a: {  	_ =	shalt  }
0x5b: {  	_ =	shalt  }
0x5c: {  	_ =	shalt  }
0x5d: {  	_ =	shalt  }
0x5e: {  	_ =	shalt  }
0x5f: {  	_ =	shalt  }
0x60: {  	_ =	shalt  }
0x61: {  	_ =	shalt  }
0x62: {  	_ =	shalt  }
0x63: {  	_ =	shalt  }
0x64: {  	_ =	shalt  }
0x65: {  	_ =	shalt  }
0x66: {  	_ =	shalt  }
0x67: {  	_ =	shalt  }
0x68: {  	_ =	shalt  }
0x69: {  	_ =	shalt  }
0x6a: {  	_ =	shalt  }
0x6b: {  	_ =	shalt  }
0x6c: {  	_ =	shalt  }
0x6d: {  	_ =	shalt  }
0x6e: {  	_ =	shalt  }
0x6f: {  	_ =	shalt  }
0x70: {  	_ =	shalt  }
0x71: {  	_ =	shalt  }
0x72: {  	_ =	shalt  }
0x73: {  	_ =	shalt  }
0x74: {  	_ =	shalt  }
0x75: {  	_ =	shalt  }
0x76: {  	_ =	shalt  }
0x77: {  	_ =	shalt  }
0x78: {  	_ =	shalt  }
0x79: {  	_ =	shalt  }
0x7a: {  	_ =	shalt  }
0x7b: {  	_ =	shalt  }
0x7c: {  	_ =	shalt  }
0x7d: {  	_ =	shalt  }
0x7e: {  	_ =	shalt  }
0x7f: {  	_ =	shalt  }
0x80: {  	_ =	shalt  }
0x81: {  	_ =	shalt  }
0x82: {  	_ =	shalt  }
0x83: {  	_ =	shalt  }
0x84: {  	_ =	shalt  }
0x85: {  	_ =	shalt  }
0x86: {  	_ =	shalt  }
0x87: {  	_ =	shalt  }
.Lfunc_end0:
.L_simem_size_0:
called_computation_lowered:
.L_overlay_start_0:
0x88: {  	s2 =	sld [smem:$0x3FD9]  }
0x89: {  	s3 =	sld [smem:$0x3FFE];
	_ =	sdelay $0x1  }
0x8a: {  	s1 =	srdreg.scid  }
0x8b: {  	s0 =	sand.u32 $0x1, s1  }
0x8c: {  	s17 =	sshll.u32 s0, $0xA;
	s2 =	sadd.s32 s3, s2  }
0x8d: {  	s2 =	sadd.s32 s2, s17  }
0x8e: {  	[smem:$0x3FC5] =	sst s2  }
0x8f: {  	_ = 	snop  }
0x90: {  	s2 =	sld [smem:$0x3FC9]  }
0x91: {  	s18 =	sld [smem:$0x3FC8]  }
0x92: {  	s4 =	sld [smem:$0x3FD0];
	(tm) =	ssettm $0x1  }
0x93: {  	s5 =	sld [smem:$0x3FFB];
	_ =	sdelay $0x3  }
0x94: {  	_ =	strace s5  }
0x95: {  	s5 =	sld [smem:$0x3FFC];
	_ =	sdelay $0x3  }
0x96: {  	_ =	strace s5  }
0x97: {  	s5 =	sld [smem:$0x3FFD];
	_ =	sdelay $0x3  }
0x98: {  	_ =	strace s5  }
0x99: {  	_ =	strace $0x8FFFFFFF  }
0x9a: {  	s19 =	sld [smem:$0x3FDB];
	_ =	sdelay $0x1  }
0x9b: {  	s6 =	simm.s32 $_scs_section_size  }
0x9c: {  	s7 =	simm.s32 $_size__tile_overlayer_lowered;
	s8 =	simm.s32 $_tile_overlayer_lowered  }
0x9d: {  	s22 =	simm.s32 $0x1BFF;
	s21 =	sshll.u32 s8, $0x1;
	s5 =	sadd.s32 s6, s19  }
0x9e: {  	s9 =	simm.s32 $0x0;
	s20 =	sshll.u32 s7, $0x1;
	s7 =	sadd.s32 s21, s5  }
0x9f: {  	[timem:s9], [sflag:s22] =	dma.local [hbm:s7], s20  }
0xa0: {  	_ =	swait.ge [sflag:s22], s20  }
0xa1: {  	s6 =	ssub.s32 $0x0, s20;
	[sflag:s22] =	ssyncset.done $0x0  }
0xa2: {  	[sflag:s22] =	ssyncadd.s32 s6;
	_ =	sdelay $0x1  }
0xa3: {  	s23 =	simm.s32 $0x1B8B  }
0xa4: {  	_ =	swait.ge [sflag:s23], $0x1  }
0xa5: {  	[sflag:s23] =	ssyncset.done $0x0  }
0xa6: {  	s25 =	simm.s32 $0x1B8E;
	s24 =	sld [smem:$0x3FFE];
	[sflag:s23] =	ssyncadd.s32 $0xFFFFFFFF  }
0xa7: {  	s26 =	simm.s32 $execute0_lowered;
	[smem:$0x3FD2] =	sst s25  }
0xa8: {  	s7 =	sshll.u32 s26, $0x1;
	_ =	strace $0x80000046;
	[dreg:$0x1] =	wrdreg $0xFFFFFFFF  }
0xa9: {  	s28 =	simm.s32 $_size_execute0_lowered;
	s5 =	sadd.s32 s5, s7;
	[dreg:$0x0] =	wrdreg $0x0  }
0xaa: {  	s7 =	sshll.u32 s28, $0x1;
	[dreg:$0x2] =	wrdreg s5  }
0xab: {  	[dreg:$0x3] =	wrdreg s7  }
0xac: {  	[dreg:$0x4] =	wrdreg $0xC0  }
0xad: {  	_ =	task [dreg:s9], $0x5FFFF  }
0xae: {  	[dreg:$0x1] =	wrdreg $0xFFFFFFFF  }
0xaf: {  	[dreg:$0x0] =	wrdreg $0x60  }
0xb0: {  	[dreg:$0x2] =	wrdreg s2  }
0xb1: {  	[dreg:$0x3] =	wrdreg s18  }
0xb2: {  	[dreg:$0x4] =	wrdreg s24  }
0xb3: {  	[dreg:$0x5] =	wrdreg s4  }
0xb4: {  	[dreg:$0x6] =	wrdreg $0x9  }
0xb5: {  	_ =	task.clear_ibuf [dreg:s9], $0x7FFFF;
	_ =	strace $0x90000046  }
0xb6: {  	s29 =	simm.s32 $0x9;
	_ =	strace $0x80000048  }
0xb7: {  	_ =	swait.ge [sflag:s29], $0x1  }
0xb8: {  	[sflag:s29] =	ssyncadd.s32 $0xFFFFFFFF  }
0xb9: {  	_ =	strace $0x90000048  }
0xba: {  	_ =	sfence  }
0xbb: {  	s30 =	sld [smem:$0x0];
	_ =	sdelay $0x2  }
0xbc: {  	s31 =	sshll.u32 s1, $0xD;
	s1 =	sshrl.u32 s1, $0x2  }
0xbd: {  	s3 =	sand.u32 $0x4000, s31;
	s1 =	sadd.s32 s1, s30  }
0xbe: {  	s0 =	sor.u32 s3, s0;
	s1 =	sshll.u32 s1, $0x11  }
0xbf: {  	s0 =	sor.u32 s1, s0  }
0xc0: {  	s0 =	sadd.s32 $0x8F2B, s0  }
0xc1: {  	[sflag:s0] =	ssyncadd.remote.s32 $0x1  }
0xc2: {  	_ =	sfence.sel $0xFFFF  }
0xc3: {  	[dreg:$0x0] =	wrdreg $0xFFFFFFFF;
	(pc) =	sbr.abs _section_cstart, $3  }
0xc4: {  	[dreg:$0x1] =	wrdreg $0xFFFFFFFF  }
0xc5: {  	_ =	task.clear_ibuf [dreg:s9], $0x2FFFF;
	_ =	strace $0x9FFFFFFF  }
0xc6: {  	(tm) =	ssettm $0x7FFFFFFF  }
0xc7: {  	_ =	shalt  }
tec
execute0_lowered:
.L_overlay_start_1:
0x0: {  	(tag) =	ssettag $0x1  }
0x1: {  	s0 =	rddreg [dreg:$0x0]  }
0x2: {  	s1 =	rddreg [dreg:$0x1]  }
0x3: {  	s3 =	rddreg [dreg:$0x2]  }
0x4: {  	s4 =	rddreg [dreg:$0x3];
	s5 =	srdreg.scid  }
0x5: {  	s2 =	simm.s32 $0x0;
	s11 =	stileid.u32;
	s12 =	simm.s32 $0x9  }
0x6: {  	s14 =	simm.s32 $0x80;
	s15 =	simm.s32 $0x8000;
	s16 =	simm.s32 $0x48  }
0x7: {  	s17 =	simm.s32 $0xA000;
	s18 =	simm.s32 $0xB200;
	s20 =	simm.s32 $0xD200  }
0x8: {  	s29 =	simm.s32 $0x11600;
	s31 =	simm.s32 $0x13600;
	s19 =	simm.s32 $0x3  }
0x9: {  	s21 =	simm.s32 $0x6;
	s28 =	simm.s32 $0x7;
	s30 =	simm.s32 $0x8  }
0xa: {  	s5 =	sand.u32 $0x1, s5;
	[smem:$0x7FF] =	sst s2;
	s6 =	sshll.u32 s11, $0x8  }
0xb: {  	s3 =	sadd.s32 $0xF42800, s3;
	s23 =	smul.u32 $0xC8000, s11;
	s7 =	sshll.u32 s5, $0x7  }
0xc: {  	s22 =	ssub.s32 $0x2, s5;
	s5 =	smul.u32 $0x64000, s5;
	s6 =	sor.u32 s7, s6  }
0xd: {  	_ =	strace $0x80000047;
	s8 =	smul.u32 $0xC80, s6;
	s10 =	sshll.u32 s6, $0x4  }
0xe: {  	s9 =	sshrl.u32 s22, $0x1;
	s6 =	smul.u32 $0x6400, s6;
	s0 =	sadd.s32 s0, s10  }
0xf: {  	s7 =	ssub.s32 s22, s9;
	s1 =	sadd.s32 s1, s10;
	[dreg:$0x5] =	wrdreg s0  }
0x10: {  	s22 =	simm.s32 $0xE400;
	s10 =	smax.u32 s7, $0x1;
	[dreg:$0x6] =	wrdreg s1  }
0x11: {  	s24 =	sshrl.u32 s6, $0x3;
	s6 =	sadd.s32 s4, s8;
	s0 =	sadd.s32 s23, s4  }
0x12: {  	s23 =	simm.s32 $0x4;
	s1 =	sadd.s32 s4, s24;
	s25 =	sadd.s32 $0xC80, s6  }
0x13: {  	s0 =	sadd.s32 s5, s0;
	s24 =	simm.s32 $0x10400;
	s4 =	simm.s32 $0x0  }
0x14: {  	[dreg:$0x7] =	wrdreg s25;
	s26 =	sadd.s32 $0x62700, s1;
	s9 =	sadd.s32 $0x63380, s1  }
0x15: {  	s11 =	sadd.s32 $0x2580, s0;
	s25 =	simm.s32 $0x1;
	s0 =	simm.s32 $0x2  }
0x16: {  	s1 =	simm.s32 $0x5;
	[dreg:$0x8] =	wrdreg s26;
	s26 =	simm.s32 $0x40  }
.LBB2_1:
0x17: {  	s5 =	rddreg [dreg:$0x5]  }
0x18: {  	[tilespmem:s2], [sflag:$0x9] =	stream.linear.gather [hbm4b:s5+s2], $0x4000, $0x38;
	[tilespmem:$0x14800] =	vst v63  }
0x19: {  	_ =	swait.ge [sflag:s12], $0x4000  }
0x1a: {  	[sflag:s12] =	ssyncset.done $0x0  }
0x1b: {  	s7 =	simm.s32 $0x4000;
	s8 =	rddreg [dreg:$0x6];
	[sflag:s12] =	ssyncadd.s32 $0xFFFFC000  }
0x1c: {  	[tilespmem:s7], [sflag:$0x9] =	stream.linear.gather [hbm4b:s8+s2], $0x4000, $0x38;
	[tilespmem:$0x14800] =	vst v63  }
0x1d: {  	_ =	swait.ge [sflag:s12], $0x4000  }
0x1e: {  	[sflag:s12] =	ssyncset.done $0x0  }
0x1f: {  	[sflag:s12] =	ssyncadd.s32 $0xFFFFC000  }
0x20: {  	[tilespmem:s15], [sflag:$0x1] =	stream.indirect.gather [hbm4b:s3+s14], $0x40, s2, s14, $0xb8;
	[tilespmem:$0x14800] =	vst v63  }
0x21: {  	_ = 	snop  }
0x22: {  	[tilespmem:s17], [sflag:$0x1] =	stream.indirect.gather [hbm4b:s3+s16], $0x40, s7, s16, $0xb8;
	[tilespmem:$0x14800] =	vst v63  }
0x23: {  	_ = 	snop  }
0x24: {  	[tilespmem:s18], [sflag:$0x2] =	stream.indirect.gather [hbm4b:s3+s14], $0x40, s14, s14, $0xb8;
	[tilespmem:$0x14800] =	vst v63  }
0x25: {  	s13 =	simm.s32 $0x4080  }
0x26: {  	[tilespmem:s20], [sflag:$0x2] =	stream.indirect.gather [hbm4b:s3+s16], $0x40, s13, s16, $0xb8;
	[tilespmem:$0x14800] =	vst v63  }
0x27: {  	s7 =	simm.s32 $0x100  }
0x28: {  	[tilespmem:s22], [sflag:$0x3] =	stream.indirect.gather [hbm4b:s3+s14], $0x40, s7, s14, $0xb8;
	[tilespmem:$0x14800] =	vst v63  }
0x29: {  	s8 =	simm.s32 $0x4100  }
0x2a: {  	[tilespmem:s24], [sflag:$0x3] =	stream.indirect.gather [hbm4b:s3+s16], $0x40, s8, s16, $0xb8;
	[tilespmem:$0x14800] =	vst v63  }
0x2b: {  	_ =	swait.ge [sflag:s25], $0x2000  }
0x2c: {  	[sflag:s25] =	ssyncset.done $0x0  }
0x2d: {  	[sflag:s25] =	ssyncadd.s32 $0xFFFFE000  }
0x2e: {  	_ =	swait.ge [sflag:s25], $0x1200  }
0x2f: {  	[sflag:s25] =	ssyncset.done $0x0  }
0x30: {  	[sflag:s25] =	ssyncadd.s32 $0xFFFFEE00  }
0x31: {  	[hbm4b:s6+s26] =	stream.strided.scatter [tilespmem:s15], [sflag:$0x5], $0x3200, s14, s26, $0x38;
	[tilespmem:$0x14800] =	vst v63  }
0x32: {  	s13 =	simm.s32 $0x180  }
0x33: {  	[tilespmem:s29], [sflag:$0x4] =	stream.indirect.gather [hbm4b:s3+s14], $0x40, s13, s14, $0xb8;
	[tilespmem:$0x14800] =	vst v63  }
0x34: {  	s7 =	simm.s32 $0x4180  }
0x35: {  	[tilespmem:s31], [sflag:$0x4] =	stream.indirect.gather [hbm4b:s3+s16], $0x40, s7, s16, $0xb8;
	[tilespmem:$0x14800] =	vst v63  }
0x36: {  	_ =	swait.ge [sflag:s0], $0x2000  }
0x37: {  	[sflag:s0] =	ssyncset.done $0x0  }
0x38: {  	[sflag:s0] =	ssyncadd.s32 $0xFFFFE000  }
0x39: {  	_ =	swait.ge [sflag:s0], $0x1200  }
0x3a: {  	[sflag:s0] =	ssyncset.done $0x0  }
0x3b: {  	s8 =	rddreg [dreg:$0x7];
	[sflag:s0] =	ssyncadd.s32 $0xFFFFEE00  }
0x3c: {  	[hbm4b:s8+s26] =	stream.strided.scatter [tilespmem:s18], [sflag:$0x6], $0x3200, s14, s26, $0x38;
	[tilespmem:$0x14800] =	vst v63  }
0x3d: {  	_ =	swait.ge [sflag:s1], $0x3200  }
0x3e: {  	[sflag:s1] =	ssyncset.done $0x0  }
0x3f: {  	s13 =	simm.s32 $0x200;
	[sflag:s1] =	ssyncadd.s32 $0xFFFFCE00  }
0x40: {  	[tilespmem:s15], [sflag:$0x1] =	stream.indirect.gather [hbm4b:s3+s14], $0x40, s13, s14, $0xb8;
	[tilespmem:$0x14800] =	vst v63  }
0x41: {  	s7 =	simm.s32 $0x4200  }
0x42: {  	[tilespmem:s17], [sflag:$0x1] =	stream.indirect.gather [hbm4b:s3+s16], $0x40, s7, s16, $0xb8;
	[tilespmem:$0x14800] =	vst v63  }
0x43: {  	_ =	swait.ge [sflag:s19], $0x2000  }
0x44: {  	[sflag:s19] =	ssyncset.done $0x0  }
0x45: {  	[sflag:s19] =	ssyncadd.s32 $0xFFFFE000  }
0x46: {  	_ =	swait.ge [sflag:s19], $0x1200  }
0x47: {  	[sflag:s19] =	ssyncset.done $0x0  }
0x48: {  	s8 =	sadd.s32 $0xFFFFF380, s11;
	[sflag:s19] =	ssyncadd.s32 $0xFFFFEE00  }
0x49: {  	[hbm4b:s8+s26] =	stream.strided.scatter [tilespmem:s22], [sflag:$0x7], $0x3200, s14, s26, $0x38;
	[tilespmem:$0x14800] =	vst v63  }
0x4a: {  	_ =	swait.ge [sflag:s21], $0x3200  }
0x4b: {  	[sflag:s21] =	ssyncset.done $0x0  }
0x4c: {  	s13 =	simm.s32 $0x280;
	[sflag:s21] =	ssyncadd.s32 $0xFFFFCE00  }
0x4d: {  	[tilespmem:s18], [sflag:$0x2] =	stream.indirect.gather [hbm4b:s3+s14], $0x40, s13, s14, $0xb8;
	[tilespmem:$0x14800] =	vst v63  }
0x4e: {  	s7 =	simm.s32 $0x4280  }
0x4f: {  	[tilespmem:s20], [sflag:$0x2] =	stream.indirect.gather [hbm4b:s3+s16], $0x40, s7, s16, $0xb8;
	[tilespmem:$0x14800] =	vst v63  }
0x50: {  	_ =	swait.ge [sflag:s23], $0x2000  }
0x51: {  	[sflag:s23] =	ssyncset.done $0x0  }
0x52: {  	[sflag:s23] =	ssyncadd.s32 $0xFFFFE000  }
0x53: {  	_ =	swait.ge [sflag:s23], $0x1200  }
0x54: {  	[sflag:s23] =	ssyncset.done $0x0  }
0x55: {  	[sflag:s23] =	ssyncadd.s32 $0xFFFFEE00  }
0x56: {  	[hbm4b:s11+s26] =	stream.strided.scatter [tilespmem:s29], [sflag:$0x8], $0x3200, s14, s26, $0x38;
	[tilespmem:$0x14800] =	vst v63  }
0x57: {  	_ =	swait.ge [sflag:s28], $0x3200  }
0x58: {  	[sflag:s28] =	ssyncset.done $0x0  }
0x59: {  	s8 =	simm.s32 $0x300;
	[sflag:s28] =	ssyncadd.s32 $0xFFFFCE00  }
0x5a: {  	[tilespmem:s22], [sflag:$0x3] =	stream.indirect.gather [hbm4b:s3+s14], $0x40, s8, s14, $0xb8;
	[tilespmem:$0x14800] =	vst v63  }
0x5b: {  	s13 =	simm.s32 $0x4300  }
0x5c: {  	[tilespmem:s24], [sflag:$0x3] =	stream.indirect.gather [hbm4b:s3+s16], $0x40, s13, s16, $0xb8;
	[tilespmem:$0x14800] =	vst v63  }
0x5d: {  	_ =	swait.ge [sflag:s25], $0x2000  }
0x5e: {  	[sflag:s25] =	ssyncset.done $0x0  }
0x5f: {  	[sflag:s25] =	ssyncadd.s32 $0xFFFFE000  }
0x60: {  	_ =	swait.ge [sflag:s25], $0x1200  }
0x61: {  	[sflag:s25] =	ssyncset.done $0x0  }
0x62: {  	s7 =	sadd.s32 $0xC80, s11;
	[sflag:s25] =	ssyncadd.s32 $0xFFFFEE00  }
0x63: {  	[hbm4b:s7+s26] =	stream.strided.scatter [tilespmem:s15], [sflag:$0x5], $0x3200, s14, s26, $0x38;
	[tilespmem:$0x14800] =	vst v63  }
0x64: {  	_ =	swait.ge [sflag:s30], $0x3200  }
0x65: {  	[sflag:s30] =	ssyncset.done $0x0  }
0x66: {  	s8 =	simm.s32 $0x380;
	[sflag:s30] =	ssyncadd.s32 $0xFFFFCE00  }
0x67: {  	[tilespmem:s29], [sflag:$0x4] =	stream.indirect.gather [hbm4b:s3+s14], $0x40, s8, s14, $0xb8;
	[tilespmem:$0x14800] =	vst v63  }
0x68: {  	s13 =	simm.s32 $0x4380  }
0x69: {  	[tilespmem:s31], [sflag:$0x4] =	stream.indirect.gather [hbm4b:s3+s16], $0x40, s13, s16, $0xb8;
	[tilespmem:$0x14800] =	vst v63  }
0x6a: {  	_ =	swait.ge [sflag:s0], $0x2000  }
0x6b: {  	[sflag:s0] =	ssyncset.done $0x0  }
0x6c: {  	[sflag:s0] =	ssyncadd.s32 $0xFFFFE000  }
0x6d: {  	_ =	swait.ge [sflag:s0], $0x1200  }
0x6e: {  	s5 =	simm.s32 $0x800;
	[sflag:s0] =	ssyncset.done $0x0  }
0x6f: {  	s7 =	sadd.s32 $0x3200, s11;
	s8 =	sadd.s32 $0x1900, s11;
	[sflag:s0] =	ssyncadd.s32 $0xFFFFEE00  }
.LBB2_2:
0x70: {  	[hbm4b:s8+s26] =	stream.strided.scatter [tilespmem:s18], [sflag:$0x6], $0x3200, s14, s26, $0x38;
	[tilespmem:$0x14800] =	vst v63  }
0x71: {  	s8 =	smov.u32 s5  }
0x72: {  	p0 =	sne.s32 s5, $0xF000;
	s5 =	sadd.s32 $0x800, s5;
	_ =	swait.ge [sflag:s1], $0x3200  }
0x73: {  	s8 =	sshra.s32 s8, $0x2;
	[sflag:s1] =	ssyncset.done $0x0  }
0x74: {  	s13 =	sadd.s32 $0x200, s8;
	[sflag:s1] =	ssyncadd.s32 $0xFFFFCE00  }
0x75: {  	[tilespmem:s15], [sflag:$0x1] =	stream.indirect.gather [hbm4b:s3+s14], $0x40, s13, s14, $0xb8;
	[tilespmem:$0x14800] =	vst v63  }
0x76: {  	s13 =	sadd.s32 $0x4200, s8  }
0x77: {  	[tilespmem:s17], [sflag:$0x1] =	stream.indirect.gather [hbm4b:s3+s16], $0x40, s13, s16, $0xb8;
	[tilespmem:$0x14800] =	vst v63  }
0x78: {  	_ =	swait.ge [sflag:s19], $0x2000  }
0x79: {  	[sflag:s19] =	ssyncset.done $0x0  }
0x7a: {  	[sflag:s19] =	ssyncadd.s32 $0xFFFFE000  }
0x7b: {  	_ =	swait.ge [sflag:s19], $0x1200  }
0x7c: {  	[sflag:s19] =	ssyncset.done $0x0  }
0x7d: {  	s13 =	sadd.s32 $0xFFFFF380, s7;
	[sflag:s19] =	ssyncadd.s32 $0xFFFFEE00  }
0x7e: {  	[hbm4b:s13+s26] =	stream.strided.scatter [tilespmem:s22], [sflag:$0x7], $0x3200, s14, s26, $0x38;
	[tilespmem:$0x14800] =	vst v63  }
0x7f: {  	_ =	swait.ge [sflag:s21], $0x3200  }
0x80: {  	[sflag:s21] =	ssyncset.done $0x0  }
0x81: {  	s13 =	sadd.s32 $0x280, s8;
	[sflag:s21] =	ssyncadd.s32 $0xFFFFCE00  }
0x82: {  	[tilespmem:s18], [sflag:$0x2] =	stream.indirect.gather [hbm4b:s3+s14], $0x40, s13, s14, $0xb8;
	[tilespmem:$0x14800] =	vst v63  }
0x83: {  	s13 =	sadd.s32 $0x4280, s8  }
0x84: {  	[tilespmem:s20], [sflag:$0x2] =	stream.indirect.gather [hbm4b:s3+s16], $0x40, s13, s16, $0xb8;
	[tilespmem:$0x14800] =	vst v63  }
0x85: {  	_ =	swait.ge [sflag:s23], $0x2000  }
0x86: {  	[sflag:s23] =	ssyncset.done $0x0  }
0x87: {  	[sflag:s23] =	ssyncadd.s32 $0xFFFFE000  }
0x88: {  	_ =	swait.ge [sflag:s23], $0x1200  }
0x89: {  	[sflag:s23] =	ssyncset.done $0x0  }
0x8a: {  	[sflag:s23] =	ssyncadd.s32 $0xFFFFEE00  }
0x8b: {  	[hbm4b:s7+s26] =	stream.strided.scatter [tilespmem:s29], [sflag:$0x8], $0x3200, s14, s26, $0x38;
	[tilespmem:$0x14800] =	vst v63  }
0x8c: {  	_ =	swait.ge [sflag:s28], $0x3200  }
0x8d: {  	[sflag:s28] =	ssyncset.done $0x0  }
0x8e: {  	s13 =	sadd.s32 $0x300, s8;
	[sflag:s28] =	ssyncadd.s32 $0xFFFFCE00  }
0x8f: {  	[tilespmem:s22], [sflag:$0x3] =	stream.indirect.gather [hbm4b:s3+s14], $0x40, s13, s14, $0xb8;
	[tilespmem:$0x14800] =	vst v63  }
0x90: {  	s13 =	sadd.s32 $0x4300, s8  }
0x91: {  	[tilespmem:s24], [sflag:$0x3] =	stream.indirect.gather [hbm4b:s3+s16], $0x40, s13, s16, $0xb8;
	[tilespmem:$0x14800] =	vst v63  }
0x92: {  	_ =	swait.ge [sflag:s25], $0x2000  }
0x93: {  	[sflag:s25] =	ssyncset.done $0x0  }
0x94: {  	[sflag:s25] =	ssyncadd.s32 $0xFFFFE000  }
0x95: {  	_ =	swait.ge [sflag:s25], $0x1200  }
0x96: {  	[sflag:s25] =	ssyncset.done $0x0  }
0x97: {  	s13 =	sadd.s32 $0xC80, s7;
	[sflag:s25] =	ssyncadd.s32 $0xFFFFEE00  }
0x98: {  	[hbm4b:s13+s26] =	stream.strided.scatter [tilespmem:s15], [sflag:$0x5], $0x3200, s14, s26, $0x38;
	[tilespmem:$0x14800] =	vst v63  }
0x99: {  	_ =	swait.ge [sflag:s30], $0x3200  }
0x9a: {  	[sflag:s30] =	ssyncset.done $0x0  }
0x9b: {  	s13 =	sadd.s32 $0x380, s8;
	[sflag:s30] =	ssyncadd.s32 $0xFFFFCE00  }
0x9c: {  	[tilespmem:s29], [sflag:$0x4] =	stream.indirect.gather [hbm4b:s3+s14], $0x40, s13, s14, $0xb8;
	[tilespmem:$0x14800] =	vst v63  }
0x9d: {  	s8 =	sadd.s32 $0x4380, s8  }
0x9e: {  	[tilespmem:s31], [sflag:$0x4] =	stream.indirect.gather [hbm4b:s3+s16], $0x40, s8, s16, $0xb8;
	[tilespmem:$0x14800] =	vst v63  }
0x9f: {  	_ =	swait.ge [sflag:s0], $0x2000  }
.Ltmp0:
0xa0: {  	[sflag:s0] =	ssyncset.done $0x0;
	(pc) =	sbr.rel @p0 .LBB2_2-.Ltmp0, $4  }
0xa1: {  	[sflag:s0] =	ssyncadd.s32 $0xFFFFE000  }
0xa2: {  	_ =	swait.ge [sflag:s0], $0x1200  }
0xa3: {  	[sflag:s0] =	ssyncset.done $0x0  }
0xa4: {  	s8 =	sadd.s32 $0x1900, s7;
	s7 =	sadd.s32 $0x3200, s7;
	[sflag:s0] =	ssyncadd.s32 $0xFFFFEE00  }
0xa5: {  	[hbm4b:s8+s26] =	stream.strided.scatter [tilespmem:s18], [sflag:$0x6], $0x3200, s14, s26, $0x38;
	[tilespmem:$0x14800] =	vst v63  }
0xa6: {  	_ =	swait.ge [sflag:s19], $0x2000  }
0xa7: {  	[sflag:s19] =	ssyncset.done $0x0  }
0xa8: {  	[sflag:s19] =	ssyncadd.s32 $0xFFFFE000  }
0xa9: {  	_ =	swait.ge [sflag:s19], $0x1200  }
0xaa: {  	[sflag:s19] =	ssyncset.done $0x0  }
0xab: {  	s5 =	rddreg [dreg:$0x8];
	[sflag:s19] =	ssyncadd.s32 $0xFFFFEE00  }
0xac: {  	[hbm4b:s5+s26] =	stream.strided.scatter [tilespmem:s22], [sflag:$0x7], $0x3200, s14, s26, $0x38;
	[tilespmem:$0x14800] =	vst v63  }
0xad: {  	_ =	swait.ge [sflag:s23], $0x2000  }
0xae: {  	[sflag:s23] =	ssyncset.done $0x0  }
0xaf: {  	[sflag:s23] =	ssyncadd.s32 $0xFFFFE000  }
0xb0: {  	_ =	swait.ge [sflag:s23], $0x1200  }
0xb1: {  	[sflag:s23] =	ssyncset.done $0x0  }
0xb2: {  	[sflag:s23] =	ssyncadd.s32 $0xFFFFEE00  }
0xb3: {  	[hbm4b:s9+s26] =	stream.strided.scatter [tilespmem:s29], [sflag:$0x8], $0x3200, s14, s26, $0x38;
	[tilespmem:$0x14800] =	vst v63  }
0xb4: {  	_ =	swait.ge [sflag:s1], $0x3200  }
0xb5: {  	[sflag:s1] =	ssyncset.done $0x0  }
0xb6: {  	[sflag:s1] =	ssyncadd.s32 $0xFFFFCE00  }
0xb7: {  	_ =	swait.ge [sflag:s21], $0x3200  }
0xb8: {  	[sflag:s21] =	ssyncset.done $0x0  }
0xb9: {  	s4 =	sadd.s32 $0x1, s4;
	[sflag:s21] =	ssyncadd.s32 $0xFFFFCE00  }
0xba: {  	p0 =	sne.s32 s4, s10;
	_ =	swait.ge [sflag:s28], $0x3200  }
.Ltmp1:
0xbb: {  	[sflag:s28] =	ssyncset.done $0x0;
	(pc) =	sbr.rel @p0 .LBB2_1-.Ltmp1, $4  }
0xbc: {  	[sflag:s28] =	ssyncadd.s32 $0xFFFFCE00  }
0xbd: {  	_ =	swait.ge [sflag:s30], $0x3200  }
0xbe: {  	[sflag:s30] =	ssyncset.done $0x0  }
0xbf: {  	[sflag:s30] =	ssyncadd.s32 $0xFFFFCE00  }
0xc0: {  	_ =	sfence.sel $0x180000  }
0xc1: {  	[bflag:$0x0] =	sbarrier.arrive $0xFFFF  }
0xc2: {  	_ =	strace $0x90000047  }
0xc3: {  	s0 =	stileid.u32;
	[bflag:$0x2] =	sbarrier.arrive $0xFFFF  }
0xc4: {  	p0 =	sne.s32 s0, $0x0;
	s0 =	rddreg [dreg:$0x4]  }
0xc5: {  	s0 =	sadd.s32 @!p0 $0x100000, s0  }
0xc6: {  	[sflag:s0] =	ssyncadd.tile.s32 @!p0 $0x1;
	_ =	shalt  }
.Lfunc_end2:
_tile_overlayer_lowered:
.L_overlay_start_2:
0xc7: {  	(tag) =	ssettag $0x2  }
0xc8: {  	s0 =	rddreg [dreg:$0x0];
	s2 =	stileid.u32  }
0xc9: {  	s1 =	rddreg [dreg:$0x1];
	p0 =	sne.s32 s2, $0x0  }
0xca: {  	s3 =	rddreg [dreg:$0x2];
	[bflag:$0x3] =	sbarrier.arrive $0xFFFF;
	s2 =	simm.s32 @!p0 $0x1C09  }
0xcb: {  	[timem:s3], [sflag:s2] =	dma.local @!p0 [hbm:s0], s1  }
0xcc: {  	s0 =	simm.s32 @!p0 $0x9  }
0xcd: {  	_ =	swait.ge @!p0 [sflag:s0], s1  }
0xce: {  	s1 =	ssub.s32 @!p0 $0x0, s1;
	[sflag:s0] =	ssyncset.done @!p0 $0x0  }
0xcf: {  	[sflag:s0] =	ssyncadd.s32 @!p0 s1  }
0xd0: {  	[bflag:$0x3] =	sbarrier.arrive $0xFFFF  }
0xd1: {  	_ =	shalt  }

</sc_bundles>
